<compile_context>
chip_gen: v7x
topology: tpu7x:2x2x1
jax: 0.10.2.dev20260603
libtpu: 0.0.44.dev20260713+nightly
codegen_flags: <defaults>
</compile_context>

<pallas_src>
import functools

import jax
import jax.numpy as jnp
from jax import lax
from jax.experimental import pallas as pl
from jax.experimental.pallas import tpu as pltpu
from jax.experimental.pallas import tpu_sc as plsc

_L = 16
_RBLK = 8
_SC_RAYS = 768


def _ray_sampler(cam2world_matrix, intrinsics, resolution):
    N = cam2world_matrix.shape[0]
    M = resolution * resolution
    cam_locs_world = cam2world_matrix[:, :3, 3]
    fx = intrinsics[:, 0, 0]
    fy = intrinsics[:, 1, 1]
    cx = intrinsics[:, 0, 2]
    cy = intrinsics[:, 1, 2]
    sk = intrinsics[:, 0, 1]
    ii, jj = jnp.meshgrid(jnp.arange(resolution, dtype=jnp.float32),
                          jnp.arange(resolution, dtype=jnp.float32), indexing='ij')
    uv = jnp.stack([ii, jj]) * (1.0 / resolution) + (0.5 / resolution)
    uv = jnp.flip(uv, axis=0).reshape(2, -1).T
    uv = jnp.broadcast_to(uv[None], (N, M, 2))
    x_cam = uv[:, :, 0]
    y_cam = uv[:, :, 1]
    z_cam = jnp.ones((N, M), dtype=jnp.float32)
    x_lift = (x_cam - cx[:, None] + cy[:, None] * sk[:, None] / fy[:, None]
              - sk[:, None] * y_cam / fy[:, None]) / fx[:, None] * z_cam
    y_lift = (y_cam - cy[:, None]) / fy[:, None] * z_cam
    cam_rel_points = jnp.stack(
        [x_lift, y_lift, z_cam, jnp.ones((N, M), dtype=jnp.float32)], axis=-1)
    world_rel_points = jnp.einsum('nij,nmj->nmi', cam2world_matrix, cam_rel_points)[:, :, :3]
    ray_dirs = world_rel_points - cam_locs_world[:, None, :]
    ray_dirs = ray_dirs / jnp.linalg.norm(ray_dirs, axis=2, keepdims=True)
    ray_origins = jnp.broadcast_to(cam_locs_world[:, None, :], ray_dirs.shape)
    return ray_origins, ray_dirs


def _nn_sqdist_body(n_batches, n_total_rays, n_rays, n_pts, pred_hbm, nrm_hbm,
                    pc_hbm, sp_hbm, out_hbm,
                    pcx, pcy, pcz, sp, prx, pry, prz, prn, outv):
    cid = lax.axis_index("c")
    sid = lax.axis_index("s")
    wid = sid * 2 + cid
    wpb = 32 // n_batches
    b = wid // wpb
    rbase0 = (wid % wpb) * n_rays

    pc0 = b * (3 * n_pts)
    pr0 = b * (3 * n_total_rays) + rbase0
    pltpu.sync_copy(pc_hbm.at[pl.ds(pc0, n_pts)], pcx)
    pltpu.sync_copy(pc_hbm.at[pl.ds(pc0 + n_pts, n_pts)], pcy)
    pltpu.sync_copy(pc_hbm.at[pl.ds(pc0 + 2 * n_pts, n_pts)], pcz)
    pltpu.sync_copy(sp_hbm.at[pl.ds(b * n_pts, n_pts)], sp)
    pltpu.sync_copy(pred_hbm.at[pl.ds(pr0, n_rays)], prx)
    pltpu.sync_copy(pred_hbm.at[pl.ds(pr0 + n_total_rays, n_rays)], pry)
    pltpu.sync_copy(pred_hbm.at[pl.ds(pr0 + 2 * n_total_rays, n_rays)], prz)
    pltpu.sync_copy(nrm_hbm.at[pl.ds(b * n_total_rays + rbase0, n_rays)], prn)

    n_chunks = n_pts // _L

    inf = jnp.full((_L,), jnp.inf, dtype=jnp.float32)
    lanes = lax.iota(jnp.int32, _L)

    dnums = lax.GatherDimensionNumbers(
        offset_dims=(), collapsed_slice_dims=(0,), start_index_map=(0,))

    def _permute(v, idx):
        return lax.gather(v, idx.reshape(_L, 1), dnums, slice_sizes=(1,),
                          mode=lax.GatherScatterMode.PROMISE_IN_BOUNDS)

    def _splat(v, i):
        return _permute(v, jnp.full((_L,), i, dtype=jnp.int32))

    def ray_block(rb, carry):
        rbase = rb * _L
        vx = prx[pl.ds(rbase, _L)]
        vy = pry[pl.ds(rbase, _L)]
        vz = prz[pl.ds(rbase, _L)]
        vn = prn[pl.ds(rbase, _L)]
        outvec = jnp.zeros((_L,), dtype=jnp.float32)
        for half in range(_L // _RBLK):
            ax, ay, az, nrm = [], [], [], []
            for i in range(_RBLK):
                ax.append(_splat(vx, half * _RBLK + i) * -2.0)
                ay.append(_splat(vy, half * _RBLK + i) * -2.0)
                az.append(_splat(vz, half * _RBLK + i) * -2.0)
                nrm.append(_splat(vn, half * _RBLK + i))

            @plsc.parallel_loop(0, n_chunks, step=1, unroll=4,
                                carry=(inf,) * _RBLK)
            def accs(j, accs_in):
                base = j * _L
                x = pcx[pl.ds(base, _L)]
                y = pcy[pl.ds(base, _L)]
                z = pcz[pl.ds(base, _L)]
                s0 = sp[pl.ds(base, _L)]
                out = []
                for i in range(_RBLK):
                    t = s0 + x * ax[i]
                    t = t + y * ay[i]
                    t = t + z * az[i]
                    out.append(jnp.minimum(accs_in[i], t))
                return tuple(out)

            for i in range(_RBLK):
                v = accs[i] + nrm[i]
                for sh in (1, 2, 4, 8):
                    v = jnp.minimum(v, _permute(v, lanes ^ sh))
                outvec = jnp.where(lanes == half * _RBLK + i, v, outvec)
        outv[pl.ds(rbase, _L)] = outvec
        return carry

    lax.fori_loop(0, n_rays // _L, ray_block, 0)
    pltpu.sync_copy(outv, out_hbm.at[pl.ds(b * n_total_rays + rbase0, n_rays)])


def _tc_body(p_ref, n_ref, q_ref, s_ref, o_ref):
    p = p_ref[0]
    q = q_ref[0]
    dot = jnp.dot(p, q, preferred_element_type=jnp.float32)
    m = jnp.min(dot + s_ref[0, 0][None, :], axis=1)
    o_ref[0, 0] = m + n_ref[0, 0]


def _nn_tc(pred_rows, nrm_tc, pc_bf, sp, TR=256):
    B, MT, _ = pred_rows.shape
    K = pc_bf.shape[2]
    return pl.pallas_call(
        _tc_body,
        grid=(B, MT // TR),
        in_specs=[
            pl.BlockSpec((1, TR, 3), lambda b, r: (b, r, 0)),
            pl.BlockSpec((1, 1, TR), lambda b, r: (b, 0, r)),
            pl.BlockSpec((1, 3, K), lambda b, r: (b, 0, 0)),
            pl.BlockSpec((1, 1, K), lambda b, r: (b, 0, 0)),
        ],
        out_specs=pl.BlockSpec((1, 1, TR), lambda b, r: (b, 0, r)),
        out_shape=jax.ShapeDtypeStruct((B, 1, MT), jnp.float32),
    )(pred_rows * -2.0, nrm_tc.reshape(B, 1, MT), pc_bf,
      sp.reshape(B, 1, K)).reshape(B, MT)


@functools.partial(jax.jit, static_argnums=())
def _nn_sqdist(predT, pcT):
    B, _, M = predT.shape
    K = pcT.shape[2]
    sp = jnp.sum(pcT * pcT, axis=1)
    nrm = jnp.sum(predT * predT, axis=1)

    def _bf16_round(t):
        i = lax.bitcast_convert_type(t, jnp.int32)
        r = i + jnp.int32(0x7FFF) + ((i >> 16) & 1)
        return lax.bitcast_convert_type(r & jnp.int32(-65536), jnp.float32)

    pc_bf = _bf16_round(pcT)
    pred_bf = _bf16_round(predT)

    S = _SC_RAYS
    n_rays = (B * S) // 32
    body = functools.partial(_nn_sqdist_body, B, S, n_rays, K)
    kfn = pl.kernel(
        body,
        out_type=jax.ShapeDtypeStruct((B * S,), jnp.float32),
        mesh=plsc.VectorSubcoreMesh(core_axis_name="c", subcore_axis_name="s",
                                    num_cores=2, num_subcores=16),
        scratch_types=[
            pltpu.VMEM((K,), jnp.float32),
            pltpu.VMEM((K,), jnp.float32),
            pltpu.VMEM((K,), jnp.float32),
            pltpu.VMEM((K,), jnp.float32),
            pltpu.VMEM((n_rays,), jnp.float32),
            pltpu.VMEM((n_rays,), jnp.float32),
            pltpu.VMEM((n_rays,), jnp.float32),
            pltpu.VMEM((n_rays,), jnp.float32),
            pltpu.VMEM((n_rays,), jnp.float32),
        ],
    )
    d1_sc = kfn(pred_bf[:, :, :S].reshape(-1), nrm[:, :S].reshape(-1),
                pc_bf.reshape(-1), sp.reshape(-1)).reshape(B, S)
    pred_rows = jnp.transpose(pred_bf[:, :, S:], (0, 2, 1))
    d1_tc = _nn_tc(pred_rows, nrm[:, S:], pc_bf, sp)
    return jnp.concatenate([d1_sc, d1_tc], axis=1)


def kernel(c, image, image_depth, pc, neural_rendering_resolution):
    B = c.shape[0]
    res = image.shape[-1]
    pc3 = pc[..., :3]
    depth = image_depth.reshape(B, -1)
    cam2world_matrix = c[:, :16].reshape(-1, 4, 4)
    intrinsics = c[:, 16:25].reshape(-1, 3, 3)
    ray_origins, ray_dirs = _ray_sampler(cam2world_matrix, intrinsics, res)
    origin = ray_origins[:, 0]
    dist = jnp.sqrt(jnp.sum((origin[:, None, :] - pc3) ** 2, axis=2))
    max_distance = jnp.max(dist, axis=1)
    pred_pos = depth[..., None] * ray_dirs + ray_origins
    predT = jnp.transpose(pred_pos, (0, 2, 1))
    pcT = jnp.transpose(pc3, (0, 2, 1))
    d1 = _nn_sqdist(predT, pcT)
    mask = depth < max_distance[:, None]
    masked = jnp.where(mask, d1, 0.0)
    count = jnp.sum(mask, axis=1)
    loss = jnp.sum(masked, axis=1) / count
    out = loss.reshape(B, 1).astype(jnp.float32)
    return out + (jnp.asarray(neural_rendering_resolution) * 0).astype(jnp.float32)

# --- scband reference (transcript-rebuilt; emitter-appended) ---
"""Pipeline reference for scband-chamfer-distance-block-24240795418787 (READ-ONLY COPY).

The authoritative reference and input builder live on the scoring server;
editing this copy changes nothing except your own understanding.
"""

import jax, jax.numpy as jnp
import numpy as np


def ray_sampler(cam2world_matrix, intrinsics, resolution):
    N = cam2world_matrix.shape[0]
    M = resolution * resolution
    cam_locs_world = cam2world_matrix[:, :3, 3]
    fx = intrinsics[:, 0, 0]
    fy = intrinsics[:, 1, 1]
    cx = intrinsics[:, 0, 2]
    cy = intrinsics[:, 1, 2]
    sk = intrinsics[:, 0, 1]
    ii, jj = jnp.meshgrid(jnp.arange(resolution, dtype=jnp.float32), jnp.arange(resolution, dtype=jnp.float32), indexing='ij')
    uv = jnp.stack([ii, jj]) * (1.0 / resolution) + (0.5 / resolution)
    uv = jnp.flip(uv, axis=0).reshape(2, -1).T
    uv = jnp.broadcast_to(uv[None], (N, M, 2))
    x_cam = uv[:, :, 0]
    y_cam = uv[:, :, 1]
    z_cam = jnp.ones((N, M), dtype=jnp.float32)
    x_lift = (x_cam - cx[:, None] + cy[:, None] * sk[:, None] / fy[:, None] - sk[:, None] * y_cam / fy[:, None]) / fx[:, None] * z_cam
    y_lift = (y_cam - cy[:, None]) / fy[:, None] * z_cam
    cam_rel_points = jnp.stack([x_lift, y_lift, z_cam, jnp.ones((N, M), dtype=jnp.float32)], axis=-1)
    world_rel_points = jnp.einsum('nij,nmj->nmi', cam2world_matrix, cam_rel_points)[:, :, :3]
    ray_dirs = world_rel_points - cam_locs_world[:, None, :]
    ray_dirs = ray_dirs / jnp.linalg.norm(ray_dirs, axis=2, keepdims=True)
    ray_origins = jnp.broadcast_to(cam_locs_world[:, None, :], ray_dirs.shape)
    return ray_origins, ray_dirs


def chamfer_dist1(p1, p2):
    # squared distance from each point in p1 (M,3) to nearest point in p2 (K,3)
    sq = jnp.sum(p1 ** 2, axis=1)[:, None] + jnp.sum(p2 ** 2, axis=1)[None, :] - 2.0 * (p1 @ p2.T)
    return jnp.min(sq, axis=1)


def setup_inputs(seed: int = 0) -> dict:
    key = jax.random.key(seed)
    k1, k2, k3, k4 = jax.random.split(key, 4)
    c = jax.random.normal(k1, (4, 25), dtype=jnp.float32)
    image = jax.random.normal(k2, (4, 3, 64, 64), dtype=jnp.float32)
    image_depth = jax.random.uniform(k3, (4, 1, 64, 64), dtype=jnp.float32)
    pc = jax.random.normal(k4, (4, 8192, 3), dtype=jnp.float32)
    return {"c": c, "image": image, "image_depth": image_depth, "pc": pc, "neural_rendering_resolution": 64}


def reference(c, image, image_depth, pc, neural_rendering_resolution):
    B = c.shape[0]
    res = image.shape[-1]
    pc = pc[..., :3]
    depth = image_depth.reshape(image.shape[0], -1, 1)
    cam2world_matrix = c[:, :16].reshape(-1, 4, 4)
    intrinsics = c[:, 16:25].reshape(-1, 3, 3)
    ray_origins, ray_directions = ray_sampler(cam2world_matrix, intrinsics, res)
    distance = jnp.sqrt(jnp.sum((ray_origins[:, 0][:, None, :] - pc) ** 2, axis=2))
    max_distance = jnp.max(distance, axis=1)
    pred_pos = depth * ray_directions + ray_origins
    mask = depth.reshape(B, -1) < max_distance.reshape(B, -1)
    chamfer_loss = []
    for b in range(B):
        m = mask[b]
        d1 = chamfer_dist1(pred_pos[b], pc[b])
        masked_d1 = jnp.where(m, d1, 0.0)
        count = jnp.sum(m)
        chamfer_loss.append(jnp.sum(masked_d1) / count)
    out = jnp.stack(chamfer_loss).reshape(B, 1).astype(jnp.float32)
    res_used = (jnp.asarray(neural_rendering_resolution) * 0).astype(jnp.float32)
    return out + res_used

if __name__ == "__main__":
    import jax
    _d = setup_inputs()
    print(jax.jit(kernel)(*tuple(_d.values())))

</pallas_src>

<mosaic_0001>
#map = affine_map<(d0, d1) -> (0)>
module attributes {stable_mosaic.version = 14 : i64} {
  func.func @_nn_sqdist_body(%arg0: i32, %arg1: i32, %arg2: memref<9216xf32, #tpu.memory_space<hbm>>, %arg3: memref<3072xf32, #tpu.memory_space<hbm>>, %arg4: memref<98304xf32, #tpu.memory_space<hbm>>, %arg5: memref<32768xf32, #tpu.memory_space<hbm>>, %arg6: memref<3072xf32, #tpu.memory_space<hbm>>, %arg7: memref<8192xf32, #tpu.memory_space<vmem>>, %arg8: memref<8192xf32, #tpu.memory_space<vmem>>, %arg9: memref<8192xf32, #tpu.memory_space<vmem>>, %arg10: memref<8192xf32, #tpu.memory_space<vmem>>, %arg11: memref<96xf32, #tpu.memory_space<vmem>>, %arg12: memref<96xf32, #tpu.memory_space<vmem>>, %arg13: memref<96xf32, #tpu.memory_space<vmem>>, %arg14: memref<96xf32, #tpu.memory_space<vmem>>, %arg15: memref<96xf32, #tpu.memory_space<vmem>>) attributes {dimension_semantics = [#tpu.dimension_semantics<core_parallel>, #tpu.dimension_semantics<subcore_parallel>], iteration_bounds = array<i64: 2, 16>, scalar_prefetch = 0 : i64, scratch_operands = 9 : i64, tpu.core_type = #tpu.core_type<sc_vector_subcore>, window_params = [{transform_indices = #map}, {transform_indices = #map}, {transform_indices = #map}, {transform_indices = #map}, {transform_indices = #map}]} {
    %mul3A = arith.constant 2 : i32
    %mul3A_0 = arith.muli %arg1, %mul3A : i32
    %add3A = arith.addi %mul3A_0, %arg0 : i32
    %jit3A = arith.constant 8 : i32
    %div3A = arith.divsi %add3A, %jit3A : i32
    %sign3A = arith.constant 0 : i32
    %sign3A_1 = arith.cmpi sgt, %add3A, %sign3A : i32
    %sign3A_2 = arith.extui %sign3A_1 : i1 to i32
    %sign3A_3 = arith.constant 0 : i32
    %sign3A_4 = arith.cmpi slt, %add3A, %sign3A_3 : i32
    %sign3A_5 = arith.extui %sign3A_4 : i1 to i32
    %sign3A_6 = arith.subi %sign3A_2, %sign3A_5 : i32
    %sign3A_7 = arith.constant 0 : i32
    %sign3A_8 = arith.cmpi sgt, %jit3A, %sign3A_7 : i32
    %sign3A_9 = arith.extui %sign3A_8 : i1 to i32
    %sign3A_10 = arith.constant 0 : i32
    %sign3A_11 = arith.cmpi slt, %jit3A, %sign3A_10 : i32
    %sign3A_12 = arith.extui %sign3A_11 : i1 to i32
    %sign3A_13 = arith.subi %sign3A_9, %sign3A_12 : i32
    %ne3A = arith.cmpi ne, %sign3A_6, %sign3A_13 : i32
    %rem3A = arith.remsi %add3A, %jit3A : i32
    %ne3A_14 = arith.constant 0 : i32
    %ne3A_15 = arith.cmpi ne, %rem3A, %ne3A_14 : i32
    %and3A = arith.andi %ne3A, %ne3A_15 : i1
    %sub3A = arith.constant 1 : i32
    %sub3A_16 = arith.subi %div3A, %sub3A : i32
    %select_n3A = arith.select %and3A, %sub3A_16, %div3A : i32
    %jit3A_17 = arith.constant 8 : i32
    %eq3A = arith.constant 0 : i32
    %eq3A_18 = arith.cmpi eq, %jit3A_17, %eq3A : i32
    %jit3A_19 = arith.constant 1 : i32
    %select_n3A_20 = arith.select %eq3A_18, %jit3A_19, %jit3A_17 : i32
    %rem3A_21 = arith.remsi %add3A, %select_n3A_20 : i32
    %ne3A_22 = arith.constant 0 : i32
    %ne3A_23 = arith.cmpi ne, %rem3A_21, %ne3A_22 : i32
    %lt3A = arith.constant 0 : i32
    %lt3A_24 = arith.cmpi slt, %rem3A_21, %lt3A : i32
    %lt3A_25 = arith.constant 0 : i32
    %lt3A_26 = arith.cmpi slt, %select_n3A_20, %lt3A_25 : i32
    %ne3A_27 = arith.xori %lt3A_24, %lt3A_26 : i1
    %and3A_28 = arith.andi %ne3A_27, %ne3A_23 : i1
    %add3A_29 = arith.addi %rem3A_21, %select_n3A_20 : i32
    %select_n3A_30 = arith.select %and3A_28, %add3A_29, %rem3A_21 : i32
    %mul3A_31 = arith.constant 96 : i32
    %mul3A_32 = arith.muli %select_n3A_30, %mul3A_31 : i32
    %mul3A_33 = arith.constant 24576 : i32
    %mul3A_34 = arith.muli %select_n3A, %mul3A_33 : i32
    %mul3A_35 = arith.constant 2304 : i32
    %mul3A_36 = arith.muli %select_n3A, %mul3A_35 : i32
    %add3A_37 = arith.addi %mul3A_36, %mul3A_32 : i32
    "tpu.region"() ({
      %run_scoped3A = tpu.sem_alloc : memref<!tpu.dma_semaphore, #tpu.memory_space<semaphore_mem>>
      %dma_start3A = tpu.memref_slice %arg4[%mul3A_34] : memref<98304xf32, #tpu.memory_space<hbm>> -> memref<8192xf32, #tpu.memory_space<hbm>>
      %dma_start3A_60 = tpu.memref_slice %arg4[%mul3A_34] : memref<98304xf32, #tpu.memory_space<hbm>> -> memref<8192xf32, #tpu.memory_space<hbm>>
      tpu.enqueue_dma source(%dma_start3A_60 : memref<8192xf32, #tpu.memory_space<hbm>>) target(%arg7 : memref<8192xf32, #tpu.memory_space<vmem>>) target_semaphore(%run_scoped3A : memref<!tpu.dma_semaphore, #tpu.memory_space<semaphore_mem>>)
      %dma_wait3A = tpu.memref_slice %arg4[%mul3A_34] : memref<98304xf32, #tpu.memory_space<hbm>> -> memref<8192xf32, #tpu.memory_space<hbm>>
      %dma_wait3A_61 = tpu.memref_slice %arg4[%mul3A_34] : memref<98304xf32, #tpu.memory_space<hbm>> -> memref<8192xf32, #tpu.memory_space<hbm>>
      tpu.wait_dma2 semaphore(%run_scoped3A : memref<!tpu.dma_semaphore, #tpu.memory_space<semaphore_mem>>) src(%dma_wait3A_61 : memref<8192xf32, #tpu.memory_space<hbm>>) dst(%arg7 : memref<8192xf32, #tpu.memory_space<vmem>>)
      tpu.yield
    }) : () -> ()
    %add3A_38 = arith.constant 8192 : i32
    %add3A_39 = arith.addi %mul3A_34, %add3A_38 : i32
    "tpu.region"() ({
      %run_scoped3A = tpu.sem_alloc : memref<!tpu.dma_semaphore, #tpu.memory_space<semaphore_mem>>
      %dma_start3A = tpu.memref_slice %arg4[%add3A_39] : memref<98304xf32, #tpu.memory_space<hbm>> -> memref<8192xf32, #tpu.memory_space<hbm>>
      %dma_start3A_60 = tpu.memref_slice %arg4[%add3A_39] : memref<98304xf32, #tpu.memory_space<hbm>> -> memref<8192xf32, #tpu.memory_space<hbm>>
      tpu.enqueue_dma source(%dma_start3A_60 : memref<8192xf32, #tpu.memory_space<hbm>>) target(%arg8 : memref<8192xf32, #tpu.memory_space<vmem>>) target_semaphore(%run_scoped3A : memref<!tpu.dma_semaphore, #tpu.memory_space<semaphore_mem>>)
      %dma_wait3A = tpu.memref_slice %arg4[%add3A_39] : memref<98304xf32, #tpu.memory_space<hbm>> -> memref<8192xf32, #tpu.memory_space<hbm>>
      %dma_wait3A_61 = tpu.memref_slice %arg4[%add3A_39] : memref<98304xf32, #tpu.memory_space<hbm>> -> memref<8192xf32, #tpu.memory_space<hbm>>
      tpu.wait_dma2 semaphore(%run_scoped3A : memref<!tpu.dma_semaphore, #tpu.memory_space<semaphore_mem>>) src(%dma_wait3A_61 : memref<8192xf32, #tpu.memory_space<hbm>>) dst(%arg8 : memref<8192xf32, #tpu.memory_space<vmem>>)
      tpu.yield
    }) : () -> ()
    %add3A_40 = arith.constant 16384 : i32
    %add3A_41 = arith.addi %mul3A_34, %add3A_40 : i32
    "tpu.region"() ({
      %run_scoped3A = tpu.sem_alloc : memref<!tpu.dma_semaphore, #tpu.memory_space<semaphore_mem>>
      %dma_start3A = tpu.memref_slice %arg4[%add3A_41] : memref<98304xf32, #tpu.memory_space<hbm>> -> memref<8192xf32, #tpu.memory_space<hbm>>
      %dma_start3A_60 = tpu.memref_slice %arg4[%add3A_41] : memref<98304xf32, #tpu.memory_space<hbm>> -> memref<8192xf32, #tpu.memory_space<hbm>>
      tpu.enqueue_dma source(%dma_start3A_60 : memref<8192xf32, #tpu.memory_space<hbm>>) target(%arg9 : memref<8192xf32, #tpu.memory_space<vmem>>) target_semaphore(%run_scoped3A : memref<!tpu.dma_semaphore, #tpu.memory_space<semaphore_mem>>)
      %dma_wait3A = tpu.memref_slice %arg4[%add3A_41] : memref<98304xf32, #tpu.memory_space<hbm>> -> memref<8192xf32, #tpu.memory_space<hbm>>
      %dma_wait3A_61 = tpu.memref_slice %arg4[%add3A_41] : memref<98304xf32, #tpu.memory_space<hbm>> -> memref<8192xf32, #tpu.memory_space<hbm>>
      tpu.wait_dma2 semaphore(%run_scoped3A : memref<!tpu.dma_semaphore, #tpu.memory_space<semaphore_mem>>) src(%dma_wait3A_61 : memref<8192xf32, #tpu.memory_space<hbm>>) dst(%arg9 : memref<8192xf32, #tpu.memory_space<vmem>>)
      tpu.yield
    }) : () -> ()
    %mul3A_42 = arith.constant 8192 : i32
    %mul3A_43 = arith.muli %select_n3A, %mul3A_42 : i32
    "tpu.region"() ({
      %run_scoped3A = tpu.sem_alloc : memref<!tpu.dma_semaphore, #tpu.memory_space<semaphore_mem>>
      %dma_start3A = tpu.memref_slice %arg5[%mul3A_43] : memref<32768xf32, #tpu.memory_space<hbm>> -> memref<8192xf32, #tpu.memory_space<hbm>>
      %dma_start3A_60 = tpu.memref_slice %arg5[%mul3A_43] : memref<32768xf32, #tpu.memory_space<hbm>> -> memref<8192xf32, #tpu.memory_space<hbm>>
      tpu.enqueue_dma source(%dma_start3A_60 : memref<8192xf32, #tpu.memory_space<hbm>>) target(%arg10 : memref<8192xf32, #tpu.memory_space<vmem>>) target_semaphore(%run_scoped3A : memref<!tpu.dma_semaphore, #tpu.memory_space<semaphore_mem>>)
      %dma_wait3A = tpu.memref_slice %arg5[%mul3A_43] : memref<32768xf32, #tpu.memory_space<hbm>> -> memref<8192xf32, #tpu.memory_space<hbm>>
      %dma_wait3A_61 = tpu.memref_slice %arg5[%mul3A_43] : memref<32768xf32, #tpu.memory_space<hbm>> -> memref<8192xf32, #tpu.memory_space<hbm>>
      tpu.wait_dma2 semaphore(%run_scoped3A : memref<!tpu.dma_semaphore, #tpu.memory_space<semaphore_mem>>) src(%dma_wait3A_61 : memref<8192xf32, #tpu.memory_space<hbm>>) dst(%arg10 : memref<8192xf32, #tpu.memory_space<vmem>>)
      tpu.yield
    }) : () -> ()
    "tpu.region"() ({
      %run_scoped3A = tpu.sem_alloc : memref<!tpu.dma_semaphore, #tpu.memory_space<semaphore_mem>>
      %dma_start3A = tpu.memref_slice %arg2[%add3A_37] : memref<9216xf32, #tpu.memory_space<hbm>> -> memref<96xf32, #tpu.memory_space<hbm>>
      %dma_start3A_60 = tpu.memref_slice %arg2[%add3A_37] : memref<9216xf32, #tpu.memory_space<hbm>> -> memref<96xf32, #tpu.memory_space<hbm>>
      tpu.enqueue_dma source(%dma_start3A_60 : memref<96xf32, #tpu.memory_space<hbm>>) target(%arg11 : memref<96xf32, #tpu.memory_space<vmem>>) target_semaphore(%run_scoped3A : memref<!tpu.dma_semaphore, #tpu.memory_space<semaphore_mem>>)
      %dma_wait3A = tpu.memref_slice %arg2[%add3A_37] : memref<9216xf32, #tpu.memory_space<hbm>> -> memref<96xf32, #tpu.memory_space<hbm>>
      %dma_wait3A_61 = tpu.memref_slice %arg2[%add3A_37] : memref<9216xf32, #tpu.memory_space<hbm>> -> memref<96xf32, #tpu.memory_space<hbm>>
      tpu.wait_dma2 semaphore(%run_scoped3A : memref<!tpu.dma_semaphore, #tpu.memory_space<semaphore_mem>>) src(%dma_wait3A_61 : memref<96xf32, #tpu.memory_space<hbm>>) dst(%arg11 : memref<96xf32, #tpu.memory_space<vmem>>)
      tpu.yield
    }) : () -> ()
    %add3A_44 = arith.constant 768 : i32
    %add3A_45 = arith.addi %add3A_37, %add3A_44 : i32
    "tpu.region"() ({
      %run_scoped3A = tpu.sem_alloc : memref<!tpu.dma_semaphore, #tpu.memory_space<semaphore_mem>>
      %dma_start3A = tpu.memref_slice %arg2[%add3A_45] : memref<9216xf32, #tpu.memory_space<hbm>> -> memref<96xf32, #tpu.memory_space<hbm>>
      %dma_start3A_60 = tpu.memref_slice %arg2[%add3A_45] : memref<9216xf32, #tpu.memory_space<hbm>> -> memref<96xf32, #tpu.memory_space<hbm>>
      tpu.enqueue_dma source(%dma_start3A_60 : memref<96xf32, #tpu.memory_space<hbm>>) target(%arg12 : memref<96xf32, #tpu.memory_space<vmem>>) target_semaphore(%run_scoped3A : memref<!tpu.dma_semaphore, #tpu.memory_space<semaphore_mem>>)
      %dma_wait3A = tpu.memref_slice %arg2[%add3A_45] : memref<9216xf32, #tpu.memory_space<hbm>> -> memref<96xf32, #tpu.memory_space<hbm>>
      %dma_wait3A_61 = tpu.memref_slice %arg2[%add3A_45] : memref<9216xf32, #tpu.memory_space<hbm>> -> memref<96xf32, #tpu.memory_space<hbm>>
      tpu.wait_dma2 semaphore(%run_scoped3A : memref<!tpu.dma_semaphore, #tpu.memory_space<semaphore_mem>>) src(%dma_wait3A_61 : memref<96xf32, #tpu.memory_space<hbm>>) dst(%arg12 : memref<96xf32, #tpu.memory_space<vmem>>)
      tpu.yield
    }) : () -> ()
    %add3A_46 = arith.constant 1536 : i32
    %add3A_47 = arith.addi %add3A_37, %add3A_46 : i32
    "tpu.region"() ({
      %run_scoped3A = tpu.sem_alloc : memref<!tpu.dma_semaphore, #tpu.memory_space<semaphore_mem>>
      %dma_start3A = tpu.memref_slice %arg2[%add3A_47] : memref<9216xf32, #tpu.memory_space<hbm>> -> memref<96xf32, #tpu.memory_space<hbm>>
      %dma_start3A_60 = tpu.memref_slice %arg2[%add3A_47] : memref<9216xf32, #tpu.memory_space<hbm>> -> memref<96xf32, #tpu.memory_space<hbm>>
      tpu.enqueue_dma source(%dma_start3A_60 : memref<96xf32, #tpu.memory_space<hbm>>) target(%arg13 : memref<96xf32, #tpu.memory_space<vmem>>) target_semaphore(%run_scoped3A : memref<!tpu.dma_semaphore, #tpu.memory_space<semaphore_mem>>)
      %dma_wait3A = tpu.memref_slice %arg2[%add3A_47] : memref<9216xf32, #tpu.memory_space<hbm>> -> memref<96xf32, #tpu.memory_space<hbm>>
      %dma_wait3A_61 = tpu.memref_slice %arg2[%add3A_47] : memref<9216xf32, #tpu.memory_space<hbm>> -> memref<96xf32, #tpu.memory_space<hbm>>
      tpu.wait_dma2 semaphore(%run_scoped3A : memref<!tpu.dma_semaphore, #tpu.memory_space<semaphore_mem>>) src(%dma_wait3A_61 : memref<96xf32, #tpu.memory_space<hbm>>) dst(%arg13 : memref<96xf32, #tpu.memory_space<vmem>>)
      tpu.yield
    }) : () -> ()
    %mul3A_48 = arith.constant 768 : i32
    %mul3A_49 = arith.muli %select_n3A, %mul3A_48 : i32
    %add3A_50 = arith.addi %mul3A_49, %mul3A_32 : i32
    "tpu.region"() ({
      %run_scoped3A = tpu.sem_alloc : memref<!tpu.dma_semaphore, #tpu.memory_space<semaphore_mem>>
      %dma_start3A = tpu.memref_slice %arg3[%add3A_50] : memref<3072xf32, #tpu.memory_space<hbm>> -> memref<96xf32, #tpu.memory_space<hbm>>
      %dma_start3A_60 = tpu.memref_slice %arg3[%add3A_50] : memref<3072xf32, #tpu.memory_space<hbm>> -> memref<96xf32, #tpu.memory_space<hbm>>
      tpu.enqueue_dma source(%dma_start3A_60 : memref<96xf32, #tpu.memory_space<hbm>>) target(%arg14 : memref<96xf32, #tpu.memory_space<vmem>>) target_semaphore(%run_scoped3A : memref<!tpu.dma_semaphore, #tpu.memory_space<semaphore_mem>>)
      %dma_wait3A = tpu.memref_slice %arg3[%add3A_50] : memref<3072xf32, #tpu.memory_space<hbm>> -> memref<96xf32, #tpu.memory_space<hbm>>
      %dma_wait3A_61 = tpu.memref_slice %arg3[%add3A_50] : memref<3072xf32, #tpu.memory_space<hbm>> -> memref<96xf32, #tpu.memory_space<hbm>>
      tpu.wait_dma2 semaphore(%run_scoped3A : memref<!tpu.dma_semaphore, #tpu.memory_space<semaphore_mem>>) src(%dma_wait3A_61 : memref<96xf32, #tpu.memory_space<hbm>>) dst(%arg14 : memref<96xf32, #tpu.memory_space<vmem>>)
      tpu.yield
    }) : () -> ()
    %broadcast_in_dim3A = arith.constant 0x7F800000 : f32
    %broadcast_in_dim3A_51 = vector.broadcast %broadcast_in_dim3A : f32 to vector<16xf32>
    %iota3A = tpu.iota {dimensions = array<i32: 0>} : vector<16xi32>
    %scan3A = arith.constant 0 : i32
    %scan3A_52 = arith.constant 0 : i32
    %scan3A_53 = arith.constant 6 : i32
    %scan3A_54 = arith.addi %scan3A_52, %scan3A_53 : i32
    %scan3A_55 = arith.constant 1 : i32
    scf.for %scan3A_60 = %scan3A_52 to %scan3A_54 step %scan3A_55  : i32 {
      %mul3A_61 = arith.constant 16 : i32
      %mul3A_62 = arith.muli %scan3A_60, %mul3A_61 : i32
      %get3A = arith.index_cast %mul3A_62 : i32 to index
      %get3A_63 = tpu.vector_load %arg11[%get3A] {strides = array<i32>} : memref<96xf32, #tpu.memory_space<vmem>>, vector<16xf32>,
      %get3A_64 = vector.shape_cast %get3A_63 : vector<16xf32> to vector<16xf32>
      %get3A_65 = arith.index_cast %mul3A_62 : i32 to index
      %get3A_66 = tpu.vector_load %arg12[%get3A_65] {strides = array<i32>} : memref<96xf32, #tpu.memory_space<vmem>>, vector<16xf32>,
      %get3A_67 = vector.shape_cast %get3A_66 : vector<16xf32> to vector<16xf32>
      %get3A_68 = arith.index_cast %mul3A_62 : i32 to index
      %get3A_69 = tpu.vector_load %arg13[%get3A_68] {strides = array<i32>} : memref<96xf32, #tpu.memory_space<vmem>>, vector<16xf32>,
      %get3A_70 = vector.shape_cast %get3A_69 : vector<16xf32> to vector<16xf32>
      %get3A_71 = arith.index_cast %mul3A_62 : i32 to index
      %get3A_72 = tpu.vector_load %arg14[%get3A_71] {strides = array<i32>} : memref<96xf32, #tpu.memory_space<vmem>>, vector<16xf32>,
      %get3A_73 = vector.shape_cast %get3A_72 : vector<16xf32> to vector<16xf32>
      %broadcast_in_dim3A_74 = arith.constant 0.000000e+00 : f32
      %broadcast_in_dim3A_75 = vector.broadcast %broadcast_in_dim3A_74 : f32 to vector<16xf32>
      %broadcast_in_dim3A_76 = arith.constant 0 : i32
      %broadcast_in_dim3A_77 = vector.broadcast %broadcast_in_dim3A_76 : i32 to vector<16xi32>
      %reshape3A = vector.shape_cast %broadcast_in_dim3A_77 : vector<16xi32> to vector<16x1xi32>
      %gather3A = vector.shape_cast %reshape3A : vector<16x1xi32> to vector<16xi32>
      %gather3A_78 = tpu.dynamic_gather %get3A_64[%gather3A] in [0] : vector<16xf32>, vector<16xi32> -> vector<16xf32>
      %mul3A_79 = arith.constant -2.000000e+00 : f32
      %mul3A_80 = vector.broadcast %mul3A_79 : f32 to vector<16xf32>
      %mul3A_81 = arith.mulf %gather3A_78, %mul3A_80 : vector<16xf32>
      %broadcast_in_dim3A_82 = arith.constant 0 : i32
      %broadcast_in_dim3A_83 = vector.broadcast %broadcast_in_dim3A_82 : i32 to vector<16xi32>
      %reshape3A_84 = vector.shape_cast %broadcast_in_dim3A_83 : vector<16xi32> to vector<16x1xi32>
      %gather3A_85 = vector.shape_cast %reshape3A_84 : vector<16x1xi32> to vector<16xi32>
      %gather3A_86 = tpu.dynamic_gather %get3A_67[%gather3A_85] in [0] : vector<16xf32>, vector<16xi32> -> vector<16xf32>
      %mul3A_87 = arith.constant -2.000000e+00 : f32
      %mul3A_88 = vector.broadcast %mul3A_87 : f32 to vector<16xf32>
      %mul3A_89 = arith.mulf %gather3A_86, %mul3A_88 : vector<16xf32>
      %broadcast_in_dim3A_90 = arith.constant 0 : i32
      %broadcast_in_dim3A_91 = vector.broadcast %broadcast_in_dim3A_90 : i32 to vector<16xi32>
      %reshape3A_92 = vector.shape_cast %broadcast_in_dim3A_91 : vector<16xi32> to vector<16x1xi32>
      %gather3A_93 = vector.shape_cast %reshape3A_92 : vector<16x1xi32> to vector<16xi32>
      %gather3A_94 = tpu.dynamic_gather %get3A_70[%gather3A_93] in [0] : vector<16xf32>, vector<16xi32> -> vector<16xf32>
      %mul3A_95 = arith.constant -2.000000e+00 : f32
      %mul3A_96 = vector.broadcast %mul3A_95 : f32 to vector<16xf32>
      %mul3A_97 = arith.mulf %gather3A_94, %mul3A_96 : vector<16xf32>
      %broadcast_in_dim3A_98 = arith.constant 0 : i32
      %broadcast_in_dim3A_99 = vector.broadcast %broadcast_in_dim3A_98 : i32 to vector<16xi32>
      %reshape3A_100 = vector.shape_cast %broadcast_in_dim3A_99 : vector<16xi32> to vector<16x1xi32>
      %gather3A_101 = vector.shape_cast %reshape3A_100 : vector<16x1xi32> to vector<16xi32>
      %gather3A_102 = tpu.dynamic_gather %get3A_73[%gather3A_101] in [0] : vector<16xf32>, vector<16xi32> -> vector<16xf32>
      %broadcast_in_dim3A_103 = arith.constant 1 : i32
      %broadcast_in_dim3A_104 = vector.broadcast %broadcast_in_dim3A_103 : i32 to vector<16xi32>
      %reshape3A_105 = vector.shape_cast %broadcast_in_dim3A_104 : vector<16xi32> to vector<16x1xi32>
      %gather3A_106 = vector.shape_cast %reshape3A_105 : vector<16x1xi32> to vector<16xi32>
      %gather3A_107 = tpu.dynamic_gather %get3A_64[%gather3A_106] in [0] : vector<16xf32>, vector<16xi32> -> vector<16xf32>
      %mul3A_108 = arith.constant -2.000000e+00 : f32
      %mul3A_109 = vector.broadcast %mul3A_108 : f32 to vector<16xf32>
      %mul3A_110 = arith.mulf %gather3A_107, %mul3A_109 : vector<16xf32>
      %broadcast_in_dim3A_111 = arith.constant 1 : i32
      %broadcast_in_dim3A_112 = vector.broadcast %broadcast_in_dim3A_111 : i32 to vector<16xi32>
      %reshape3A_113 = vector.shape_cast %broadcast_in_dim3A_112 : vector<16xi32> to vector<16x1xi32>
      %gather3A_114 = vector.shape_cast %reshape3A_113 : vector<16x1xi32> to vector<16xi32>
      %gather3A_115 = tpu.dynamic_gather %get3A_67[%gather3A_114] in [0] : vector<16xf32>, vector<16xi32> -> vector<16xf32>
      %mul3A_116 = arith.constant -2.000000e+00 : f32
      %mul3A_117 = vector.broadcast %mul3A_116 : f32 to vector<16xf32>
      %mul3A_118 = arith.mulf %gather3A_115, %mul3A_117 : vector<16xf32>
      %broadcast_in_dim3A_119 = arith.constant 1 : i32
      %broadcast_in_dim3A_120 = vector.broadcast %broadcast_in_dim3A_119 : i32 to vector<16xi32>
      %reshape3A_121 = vector.shape_cast %broadcast_in_dim3A_120 : vector<16xi32> to vector<16x1xi32>
      %gather3A_122 = vector.shape_cast %reshape3A_121 : vector<16x1xi32> to vector<16xi32>
      %gather3A_123 = tpu.dynamic_gather %get3A_70[%gather3A_122] in [0] : vector<16xf32>, vector<16xi32> -> vector<16xf32>
      %mul3A_124 = arith.constant -2.000000e+00 : f32
      %mul3A_125 = vector.broadcast %mul3A_124 : f32 to vector<16xf32>
      %mul3A_126 = arith.mulf %gather3A_123, %mul3A_125 : vector<16xf32>
      %broadcast_in_dim3A_127 = arith.constant 1 : i32
      %broadcast_in_dim3A_128 = vector.broadcast %broadcast_in_dim3A_127 : i32 to vector<16xi32>
      %reshape3A_129 = vector.shape_cast %broadcast_in_dim3A_128 : vector<16xi32> to vector<16x1xi32>
      %gather3A_130 = vector.shape_cast %reshape3A_129 : vector<16x1xi32> to vector<16xi32>
      %gather3A_131 = tpu.dynamic_gather %get3A_73[%gather3A_130] in [0] : vector<16xf32>, vector<16xi32> -> vector<16xf32>
      %broadcast_in_dim3A_132 = arith.constant 2 : i32
      %broadcast_in_dim3A_133 = vector.broadcast %broadcast_in_dim3A_132 : i32 to vector<16xi32>
      %reshape3A_134 = vector.shape_cast %broadcast_in_dim3A_133 : vector<16xi32> to vector<16x1xi32>
      %gather3A_135 = vector.shape_cast %reshape3A_134 : vector<16x1xi32> to vector<16xi32>
      %gather3A_136 = tpu.dynamic_gather %get3A_64[%gather3A_135] in [0] : vector<16xf32>, vector<16xi32> -> vector<16xf32>
      %mul3A_137 = arith.constant -2.000000e+00 : f32
      %mul3A_138 = vector.broadcast %mul3A_137 : f32 to vector<16xf32>
      %mul3A_139 = arith.mulf %gather3A_136, %mul3A_138 : vector<16xf32>
      %broadcast_in_dim3A_140 = arith.constant 2 : i32
      %broadcast_in_dim3A_141 = vector.broadcast %broadcast_in_dim3A_140 : i32 to vector<16xi32>
      %reshape3A_142 = vector.shape_cast %broadcast_in_dim3A_141 : vector<16xi32> to vector<16x1xi32>
      %gather3A_143 = vector.shape_cast %reshape3A_142 : vector<16x1xi32> to vector<16xi32>
      %gather3A_144 = tpu.dynamic_gather %get3A_67[%gather3A_143] in [0] : vector<16xf32>, vector<16xi32> -> vector<16xf32>
      %mul3A_145 = arith.constant -2.000000e+00 : f32
      %mul3A_146 = vector.broadcast %mul3A_145 : f32 to vector<16xf32>
      %mul3A_147 = arith.mulf %gather3A_144, %mul3A_146 : vector<16xf32>
      %broadcast_in_dim3A_148 = arith.constant 2 : i32
      %broadcast_in_dim3A_149 = vector.broadcast %broadcast_in_dim3A_148 : i32 to vector<16xi32>
      %reshape3A_150 = vector.shape_cast %broadcast_in_dim3A_149 : vector<16xi32> to vector<16x1xi32>
      %gather3A_151 = vector.shape_cast %reshape3A_150 : vector<16x1xi32> to vector<16xi32>
      %gather3A_152 = tpu.dynamic_gather %get3A_70[%gather3A_151] in [0] : vector<16xf32>, vector<16xi32> -> vector<16xf32>
      %mul3A_153 = arith.constant -2.000000e+00 : f32
      %mul3A_154 = vector.broadcast %mul3A_153 : f32 to vector<16xf32>
      %mul3A_155 = arith.mulf %gather3A_152, %mul3A_154 : vector<16xf32>
      %broadcast_in_dim3A_156 = arith.constant 2 : i32
      %broadcast_in_dim3A_157 = vector.broadcast %broadcast_in_dim3A_156 : i32 to vector<16xi32>
      %reshape3A_158 = vector.shape_cast %broadcast_in_dim3A_157 : vector<16xi32> to vector<16x1xi32>
      %gather3A_159 = vector.shape_cast %reshape3A_158 : vector<16x1xi32> to vector<16xi32>
      %gather3A_160 = tpu.dynamic_gather %get3A_73[%gather3A_159] in [0] : vector<16xf32>, vector<16xi32> -> vector<16xf32>
      %broadcast_in_dim3A_161 = arith.constant 3 : i32
      %broadcast_in_dim3A_162 = vector.broadcast %broadcast_in_dim3A_161 : i32 to vector<16xi32>
      %reshape3A_163 = vector.shape_cast %broadcast_in_dim3A_162 : vector<16xi32> to vector<16x1xi32>
      %gather3A_164 = vector.shape_cast %reshape3A_163 : vector<16x1xi32> to vector<16xi32>
      %gather3A_165 = tpu.dynamic_gather %get3A_64[%gather3A_164] in [0] : vector<16xf32>, vector<16xi32> -> vector<16xf32>
      %mul3A_166 = arith.constant -2.000000e+00 : f32
      %mul3A_167 = vector.broadcast %mul3A_166 : f32 to vector<16xf32>
      %mul3A_168 = arith.mulf %gather3A_165, %mul3A_167 : vector<16xf32>
      %broadcast_in_dim3A_169 = arith.constant 3 : i32
      %broadcast_in_dim3A_170 = vector.broadcast %broadcast_in_dim3A_169 : i32 to vector<16xi32>
      %reshape3A_171 = vector.shape_cast %broadcast_in_dim3A_170 : vector<16xi32> to vector<16x1xi32>
      %gather3A_172 = vector.shape_cast %reshape3A_171 : vector<16x1xi32> to vector<16xi32>
      %gather3A_173 = tpu.dynamic_gather %get3A_67[%gather3A_172] in [0] : vector<16xf32>, vector<16xi32> -> vector<16xf32>
      %mul3A_174 = arith.constant -2.000000e+00 : f32
      %mul3A_175 = vector.broadcast %mul3A_174 : f32 to vector<16xf32>
      %mul3A_176 = arith.mulf %gather3A_173, %mul3A_175 : vector<16xf32>
      %broadcast_in_dim3A_177 = arith.constant 3 : i32
      %broadcast_in_dim3A_178 = vector.broadcast %broadcast_in_dim3A_177 : i32 to vector<16xi32>
      %reshape3A_179 = vector.shape_cast %broadcast_in_dim3A_178 : vector<16xi32> to vector<16x1xi32>
      %gather3A_180 = vector.shape_cast %reshape3A_179 : vector<16x1xi32> to vector<16xi32>
      %gather3A_181 = tpu.dynamic_gather %get3A_70[%gather3A_180] in [0] : vector<16xf32>, vector<16xi32> -> vector<16xf32>
      %mul3A_182 = arith.constant -2.000000e+00 : f32
      %mul3A_183 = vector.broadcast %mul3A_182 : f32 to vector<16xf32>
      %mul3A_184 = arith.mulf %gather3A_181, %mul3A_183 : vector<16xf32>
      %broadcast_in_dim3A_185 = arith.constant 3 : i32
      %broadcast_in_dim3A_186 = vector.broadcast %broadcast_in_dim3A_185 : i32 to vector<16xi32>
      %reshape3A_187 = vector.shape_cast %broadcast_in_dim3A_186 : vector<16xi32> to vector<16x1xi32>
      %gather3A_188 = vector.shape_cast %reshape3A_187 : vector<16x1xi32> to vector<16xi32>
      %gather3A_189 = tpu.dynamic_gather %get3A_73[%gather3A_188] in [0] : vector<16xf32>, vector<16xi32> -> vector<16xf32>
      %broadcast_in_dim3A_190 = arith.constant 4 : i32
      %broadcast_in_dim3A_191 = vector.broadcast %broadcast_in_dim3A_190 : i32 to vector<16xi32>
      %reshape3A_192 = vector.shape_cast %broadcast_in_dim3A_191 : vector<16xi32> to vector<16x1xi32>
      %gather3A_193 = vector.shape_cast %reshape3A_192 : vector<16x1xi32> to vector<16xi32>
      %gather3A_194 = tpu.dynamic_gather %get3A_64[%gather3A_193] in [0] : vector<16xf32>, vector<16xi32> -> vector<16xf32>
      %mul3A_195 = arith.constant -2.000000e+00 : f32
      %mul3A_196 = vector.broadcast %mul3A_195 : f32 to vector<16xf32>
      %mul3A_197 = arith.mulf %gather3A_194, %mul3A_196 : vector<16xf32>
      %broadcast_in_dim3A_198 = arith.constant 4 : i32
      %broadcast_in_dim3A_199 = vector.broadcast %broadcast_in_dim3A_198 : i32 to vector<16xi32>
      %reshape3A_200 = vector.shape_cast %broadcast_in_dim3A_199 : vector<16xi32> to vector<16x1xi32>
      %gather3A_201 = vector.shape_cast %reshape3A_200 : vector<16x1xi32> to vector<16xi32>
      %gather3A_202 = tpu.dynamic_gather %get3A_67[%gather3A_201] in [0] : vector<16xf32>, vector<16xi32> -> vector<16xf32>
      %mul3A_203 = arith.constant -2.000000e+00 : f32
      %mul3A_204 = vector.broadcast %mul3A_203 : f32 to vector<16xf32>
      %mul3A_205 = arith.mulf %gather3A_202, %mul3A_204 : vector<16xf32>
      %broadcast_in_dim3A_206 = arith.constant 4 : i32
      %broadcast_in_dim3A_207 = vector.broadcast %broadcast_in_dim3A_206 : i32 to vector<16xi32>
      %reshape3A_208 = vector.shape_cast %broadcast_in_dim3A_207 : vector<16xi32> to vector<16x1xi32>
      %gather3A_209 = vector.shape_cast %reshape3A_208 : vector<16x1xi32> to vector<16xi32>
      %gather3A_210 = tpu.dynamic_gather %get3A_70[%gather3A_209] in [0] : vector<16xf32>, vector<16xi32> -> vector<16xf32>
      %mul3A_211 = arith.constant -2.000000e+00 : f32
      %mul3A_212 = vector.broadcast %mul3A_211 : f32 to vector<16xf32>
      %mul3A_213 = arith.mulf %gather3A_210, %mul3A_212 : vector<16xf32>
      %broadcast_in_dim3A_214 = arith.constant 4 : i32
      %broadcast_in_dim3A_215 = vector.broadcast %broadcast_in_dim3A_214 : i32 to vector<16xi32>
      %reshape3A_216 = vector.shape_cast %broadcast_in_dim3A_215 : vector<16xi32> to vector<16x1xi32>
      %gather3A_217 = vector.shape_cast %reshape3A_216 : vector<16x1xi32> to vector<16xi32>
      %gather3A_218 = tpu.dynamic_gather %get3A_73[%gather3A_217] in [0] : vector<16xf32>, vector<16xi32> -> vector<16xf32>
      %broadcast_in_dim3A_219 = arith.constant 5 : i32
      %broadcast_in_dim3A_220 = vector.broadcast %broadcast_in_dim3A_219 : i32 to vector<16xi32>
      %reshape3A_221 = vector.shape_cast %broadcast_in_dim3A_220 : vector<16xi32> to vector<16x1xi32>
      %gather3A_222 = vector.shape_cast %reshape3A_221 : vector<16x1xi32> to vector<16xi32>
      %gather3A_223 = tpu.dynamic_gather %get3A_64[%gather3A_222] in [0] : vector<16xf32>, vector<16xi32> -> vector<16xf32>
      %mul3A_224 = arith.constant -2.000000e+00 : f32
      %mul3A_225 = vector.broadcast %mul3A_224 : f32 to vector<16xf32>
      %mul3A_226 = arith.mulf %gather3A_223, %mul3A_225 : vector<16xf32>
      %broadcast_in_dim3A_227 = arith.constant 5 : i32
      %broadcast_in_dim3A_228 = vector.broadcast %broadcast_in_dim3A_227 : i32 to vector<16xi32>
      %reshape3A_229 = vector.shape_cast %broadcast_in_dim3A_228 : vector<16xi32> to vector<16x1xi32>
      %gather3A_230 = vector.shape_cast %reshape3A_229 : vector<16x1xi32> to vector<16xi32>
      %gather3A_231 = tpu.dynamic_gather %get3A_67[%gather3A_230] in [0] : vector<16xf32>, vector<16xi32> -> vector<16xf32>
      %mul3A_232 = arith.constant -2.000000e+00 : f32
      %mul3A_233 = vector.broadcast %mul3A_232 : f32 to vector<16xf32>
      %mul3A_234 = arith.mulf %gather3A_231, %mul3A_233 : vector<16xf32>
      %broadcast_in_dim3A_235 = arith.constant 5 : i32
      %broadcast_in_dim3A_236 = vector.broadcast %broadcast_in_dim3A_235 : i32 to vector<16xi32>
      %reshape3A_237 = vector.shape_cast %broadcast_in_dim3A_236 : vector<16xi32> to vector<16x1xi32>
      %gather3A_238 = vector.shape_cast %reshape3A_237 : vector<16x1xi32> to vector<16xi32>
      %gather3A_239 = tpu.dynamic_gather %get3A_70[%gather3A_238] in [0] : vector<16xf32>, vector<16xi32> -> vector<16xf32>
      %mul3A_240 = arith.constant -2.000000e+00 : f32
      %mul3A_241 = vector.broadcast %mul3A_240 : f32 to vector<16xf32>
      %mul3A_242 = arith.mulf %gather3A_239, %mul3A_241 : vector<16xf32>
      %broadcast_in_dim3A_243 = arith.constant 5 : i32
      %broadcast_in_dim3A_244 = vector.broadcast %broadcast_in_dim3A_243 : i32 to vector<16xi32>
      %reshape3A_245 = vector.shape_cast %broadcast_in_dim3A_244 : vector<16xi32> to vector<16x1xi32>
      %gather3A_246 = vector.shape_cast %reshape3A_245 : vector<16x1xi32> to vector<16xi32>
      %gather3A_247 = tpu.dynamic_gather %get3A_73[%gather3A_246] in [0] : vector<16xf32>, vector<16xi32> -> vector<16xf32>
      %broadcast_in_dim3A_248 = arith.constant 6 : i32
      %broadcast_in_dim3A_249 = vector.broadcast %broadcast_in_dim3A_248 : i32 to vector<16xi32>
      %reshape3A_250 = vector.shape_cast %broadcast_in_dim3A_249 : vector<16xi32> to vector<16x1xi32>
      %gather3A_251 = vector.shape_cast %reshape3A_250 : vector<16x1xi32> to vector<16xi32>
      %gather3A_252 = tpu.dynamic_gather %get3A_64[%gather3A_251] in [0] : vector<16xf32>, vector<16xi32> -> vector<16xf32>
      %mul3A_253 = arith.constant -2.000000e+00 : f32
      %mul3A_254 = vector.broadcast %mul3A_253 : f32 to vector<16xf32>
      %mul3A_255 = arith.mulf %gather3A_252, %mul3A_254 : vector<16xf32>
      %broadcast_in_dim3A_256 = arith.constant 6 : i32
      %broadcast_in_dim3A_257 = vector.broadcast %broadcast_in_dim3A_256 : i32 to vector<16xi32>
      %reshape3A_258 = vector.shape_cast %broadcast_in_dim3A_257 : vector<16xi32> to vector<16x1xi32>
      %gather3A_259 = vector.shape_cast %reshape3A_258 : vector<16x1xi32> to vector<16xi32>
      %gather3A_260 = tpu.dynamic_gather %get3A_67[%gather3A_259] in [0] : vector<16xf32>, vector<16xi32> -> vector<16xf32>
      %mul3A_261 = arith.constant -2.000000e+00 : f32
      %mul3A_262 = vector.broadcast %mul3A_261 : f32 to vector<16xf32>
      %mul3A_263 = arith.mulf %gather3A_260, %mul3A_262 : vector<16xf32>
      %broadcast_in_dim3A_264 = arith.constant 6 : i32
      %broadcast_in_dim3A_265 = vector.broadcast %broadcast_in_dim3A_264 : i32 to vector<16xi32>
      %reshape3A_266 = vector.shape_cast %broadcast_in_dim3A_265 : vector<16xi32> to vector<16x1xi32>
      %gather3A_267 = vector.shape_cast %reshape3A_266 : vector<16x1xi32> to vector<16xi32>
      %gather3A_268 = tpu.dynamic_gather %get3A_70[%gather3A_267] in [0] : vector<16xf32>, vector<16xi32> -> vector<16xf32>
      %mul3A_269 = arith.constant -2.000000e+00 : f32
      %mul3A_270 = vector.broadcast %mul3A_269 : f32 to vector<16xf32>
      %mul3A_271 = arith.mulf %gather3A_268, %mul3A_270 : vector<16xf32>
      %broadcast_in_dim3A_272 = arith.constant 6 : i32
      %broadcast_in_dim3A_273 = vector.broadcast %broadcast_in_dim3A_272 : i32 to vector<16xi32>
      %reshape3A_274 = vector.shape_cast %broadcast_in_dim3A_273 : vector<16xi32> to vector<16x1xi32>
      %gather3A_275 = vector.shape_cast %reshape3A_274 : vector<16x1xi32> to vector<16xi32>
      %gather3A_276 = tpu.dynamic_gather %get3A_73[%gather3A_275] in [0] : vector<16xf32>, vector<16xi32> -> vector<16xf32>
      %broadcast_in_dim3A_277 = arith.constant 7 : i32
      %broadcast_in_dim3A_278 = vector.broadcast %broadcast_in_dim3A_277 : i32 to vector<16xi32>
      %reshape3A_279 = vector.shape_cast %broadcast_in_dim3A_278 : vector<16xi32> to vector<16x1xi32>
      %gather3A_280 = vector.shape_cast %reshape3A_279 : vector<16x1xi32> to vector<16xi32>
      %gather3A_281 = tpu.dynamic_gather %get3A_64[%gather3A_280] in [0] : vector<16xf32>, vector<16xi32> -> vector<16xf32>
      %mul3A_282 = arith.constant -2.000000e+00 : f32
      %mul3A_283 = vector.broadcast %mul3A_282 : f32 to vector<16xf32>
      %mul3A_284 = arith.mulf %gather3A_281, %mul3A_283 : vector<16xf32>
      %broadcast_in_dim3A_285 = arith.constant 7 : i32
      %broadcast_in_dim3A_286 = vector.broadcast %broadcast_in_dim3A_285 : i32 to vector<16xi32>
      %reshape3A_287 = vector.shape_cast %broadcast_in_dim3A_286 : vector<16xi32> to vector<16x1xi32>
      %gather3A_288 = vector.shape_cast %reshape3A_287 : vector<16x1xi32> to vector<16xi32>
      %gather3A_289 = tpu.dynamic_gather %get3A_67[%gather3A_288] in [0] : vector<16xf32>, vector<16xi32> -> vector<16xf32>
      %mul3A_290 = arith.constant -2.000000e+00 : f32
      %mul3A_291 = vector.broadcast %mul3A_290 : f32 to vector<16xf32>
      %mul3A_292 = arith.mulf %gather3A_289, %mul3A_291 : vector<16xf32>
      %broadcast_in_dim3A_293 = arith.constant 7 : i32
      %broadcast_in_dim3A_294 = vector.broadcast %broadcast_in_dim3A_293 : i32 to vector<16xi32>
      %reshape3A_295 = vector.shape_cast %broadcast_in_dim3A_294 : vector<16xi32> to vector<16x1xi32>
      %gather3A_296 = vector.shape_cast %reshape3A_295 : vector<16x1xi32> to vector<16xi32>
      %gather3A_297 = tpu.dynamic_gather %get3A_70[%gather3A_296] in [0] : vector<16xf32>, vector<16xi32> -> vector<16xf32>
      %mul3A_298 = arith.constant -2.000000e+00 : f32
      %mul3A_299 = vector.broadcast %mul3A_298 : f32 to vector<16xf32>
      %mul3A_300 = arith.mulf %gather3A_297, %mul3A_299 : vector<16xf32>
      %broadcast_in_dim3A_301 = arith.constant 7 : i32
      %broadcast_in_dim3A_302 = vector.broadcast %broadcast_in_dim3A_301 : i32 to vector<16xi32>
      %reshape3A_303 = vector.shape_cast %broadcast_in_dim3A_302 : vector<16xi32> to vector<16x1xi32>
      %gather3A_304 = vector.shape_cast %reshape3A_303 : vector<16x1xi32> to vector<16xi32>
      %gather3A_305 = tpu.dynamic_gather %get3A_73[%gather3A_304] in [0] : vector<16xf32>, vector<16xi32> -> vector<16xf32>
      %parallel_loop3A = arith.constant 0 : i32
      %parallel_loop3A_306 = arith.constant 512 : i32
      %parallel_loop3A_307 = arith.constant 1 : i32
      %parallel_loop3A_308:8 = scf.for %parallel_loop3A_1074 = %parallel_loop3A to %parallel_loop3A_306 step %parallel_loop3A_307 iter_args(%parallel_loop3A_1075 = %broadcast_in_dim3A_51, %parallel_loop3A_1076 = %broadcast_in_dim3A_51, %parallel_loop3A_1077 = %broadcast_in_dim3A_51, %parallel_loop3A_1078 = %broadcast_in_dim3A_51, %parallel_loop3A_1079 = %broadcast_in_dim3A_51, %parallel_loop3A_1080 = %broadcast_in_dim3A_51, %parallel_loop3A_1081 = %broadcast_in_dim3A_51, %parallel_loop3A_1082 = %broadcast_in_dim3A_51) -> (vector<16xf32>, vector<16xf32>, vector<16xf32>, vector<16xf32>, vector<16xf32>, vector<16xf32>, vector<16xf32>, vector<16xf32>)  : i32 {
        %parallel_loop3A_1083 = arith.constant 16 : i32
        %parallel_loop3A_1084 = arith.muli %parallel_loop3A_1074, %parallel_loop3A_1083 : i32
        %parallel_loop3A_1085 = arith.index_cast %parallel_loop3A_1084 : i32 to index
        %parallel_loop3A_1086 = tpu.vector_load %arg7[%parallel_loop3A_1085] {strides = array<i32>} : memref<8192xf32, #tpu.memory_space<vmem>>, vector<16xf32>,
        %parallel_loop3A_1087 = vector.shape_cast %parallel_loop3A_1086 : vector<16xf32> to vector<16xf32>
        %parallel_loop3A_1088 = arith.index_cast %parallel_loop3A_1084 : i32 to index
        %parallel_loop3A_1089 = tpu.vector_load %arg8[%parallel_loop3A_1088] {strides = array<i32>} : memref<8192xf32, #tpu.memory_space<vmem>>, vector<16xf32>,
        %parallel_loop3A_1090 = vector.shape_cast %parallel_loop3A_1089 : vector<16xf32> to vector<16xf32>
        %parallel_loop3A_1091 = arith.index_cast %parallel_loop3A_1084 : i32 to index
        %parallel_loop3A_1092 = tpu.vector_load %arg9[%parallel_loop3A_1091] {strides = array<i32>} : memref<8192xf32, #tpu.memory_space<vmem>>, vector<16xf32>,
        %parallel_loop3A_1093 = vector.shape_cast %parallel_loop3A_1092 : vector<16xf32> to vector<16xf32>
        %parallel_loop3A_1094 = arith.index_cast %parallel_loop3A_1084 : i32 to index
        %parallel_loop3A_1095 = tpu.vector_load %arg10[%parallel_loop3A_1094] {strides = array<i32>} : memref<8192xf32, #tpu.memory_space<vmem>>, vector<16xf32>,
        %parallel_loop3A_1096 = vector.shape_cast %parallel_loop3A_1095 : vector<16xf32> to vector<16xf32>
        %parallel_loop3A_1097 = arith.mulf %parallel_loop3A_1087, %mul3A_81 : vector<16xf32>
        %parallel_loop3A_1098 = arith.addf %parallel_loop3A_1096, %parallel_loop3A_1097 : vector<16xf32>
        %parallel_loop3A_1099 = arith.mulf %parallel_loop3A_1090, %mul3A_89 : vector<16xf32>
        %parallel_loop3A_1100 = arith.addf %parallel_loop3A_1098, %parallel_loop3A_1099 : vector<16xf32>
        %parallel_loop3A_1101 = arith.mulf %parallel_loop3A_1093, %mul3A_97 : vector<16xf32>
        %parallel_loop3A_1102 = arith.addf %parallel_loop3A_1100, %parallel_loop3A_1101 : vector<16xf32>
        %parallel_loop3A_1103 = arith.minimumf %parallel_loop3A_1075, %parallel_loop3A_1102 : vector<16xf32>
        %parallel_loop3A_1104 = arith.mulf %parallel_loop3A_1087, %mul3A_110 : vector<16xf32>
        %parallel_loop3A_1105 = arith.addf %parallel_loop3A_1096, %parallel_loop3A_1104 : vector<16xf32>
        %parallel_loop3A_1106 = arith.mulf %parallel_loop3A_1090, %mul3A_118 : vector<16xf32>
        %parallel_loop3A_1107 = arith.addf %parallel_loop3A_1105, %parallel_loop3A_1106 : vector<16xf32>
        %parallel_loop3A_1108 = arith.mulf %parallel_loop3A_1093, %mul3A_126 : vector<16xf32>
        %parallel_loop3A_1109 = arith.addf %parallel_loop3A_1107, %parallel_loop3A_1108 : vector<16xf32>
        %parallel_loop3A_1110 = arith.minimumf %parallel_loop3A_1076, %parallel_loop3A_1109 : vector<16xf32>
        %parallel_loop3A_1111 = arith.mulf %parallel_loop3A_1087, %mul3A_139 : vector<16xf32>
        %parallel_loop3A_1112 = arith.addf %parallel_loop3A_1096, %parallel_loop3A_1111 : vector<16xf32>
        %parallel_loop3A_1113 = arith.mulf %parallel_loop3A_1090, %mul3A_147 : vector<16xf32>
        %parallel_loop3A_1114 = arith.addf %parallel_loop3A_1112, %parallel_loop3A_1113 : vector<16xf32>
        %parallel_loop3A_1115 = arith.mulf %parallel_loop3A_1093, %mul3A_155 : vector<16xf32>
        %parallel_loop3A_1116 = arith.addf %parallel_loop3A_1114, %parallel_loop3A_1115 : vector<16xf32>
        %parallel_loop3A_1117 = arith.minimumf %parallel_loop3A_1077, %parallel_loop3A_1116 : vector<16xf32>
        %parallel_loop3A_1118 = arith.mulf %parallel_loop3A_1087, %mul3A_168 : vector<16xf32>
        %parallel_loop3A_1119 = arith.addf %parallel_loop3A_1096, %parallel_loop3A_1118 : vector<16xf32>
        %parallel_loop3A_1120 = arith.mulf %parallel_loop3A_1090, %mul3A_176 : vector<16xf32>
        %parallel_loop3A_1121 = arith.addf %parallel_loop3A_1119, %parallel_loop3A_1120 : vector<16xf32>
        %parallel_loop3A_1122 = arith.mulf %parallel_loop3A_1093, %mul3A_184 : vector<16xf32>
        %parallel_loop3A_1123 = arith.addf %parallel_loop3A_1121, %parallel_loop3A_1122 : vector<16xf32>
        %parallel_loop3A_1124 = arith.minimumf %parallel_loop3A_1078, %parallel_loop3A_1123 : vector<16xf32>
        %parallel_loop3A_1125 = arith.mulf %parallel_loop3A_1087, %mul3A_197 : vector<16xf32>
        %parallel_loop3A_1126 = arith.addf %parallel_loop3A_1096, %parallel_loop3A_1125 : vector<16xf32>
        %parallel_loop3A_1127 = arith.mulf %parallel_loop3A_1090, %mul3A_205 : vector<16xf32>
        %parallel_loop3A_1128 = arith.addf %parallel_loop3A_1126, %parallel_loop3A_1127 : vector<16xf32>
        %parallel_loop3A_1129 = arith.mulf %parallel_loop3A_1093, %mul3A_213 : vector<16xf32>
        %parallel_loop3A_1130 = arith.addf %parallel_loop3A_1128, %parallel_loop3A_1129 : vector<16xf32>
        %parallel_loop3A_1131 = arith.minimumf %parallel_loop3A_1079, %parallel_loop3A_1130 : vector<16xf32>
        %parallel_loop3A_1132 = arith.mulf %parallel_loop3A_1087, %mul3A_226 : vector<16xf32>
        %parallel_loop3A_1133 = arith.addf %parallel_loop3A_1096, %parallel_loop3A_1132 : vector<16xf32>
        %parallel_loop3A_1134 = arith.mulf %parallel_loop3A_1090, %mul3A_234 : vector<16xf32>
        %parallel_loop3A_1135 = arith.addf %parallel_loop3A_1133, %parallel_loop3A_1134 : vector<16xf32>
        %parallel_loop3A_1136 = arith.mulf %parallel_loop3A_1093, %mul3A_242 : vector<16xf32>
        %parallel_loop3A_1137 = arith.addf %parallel_loop3A_1135, %parallel_loop3A_1136 : vector<16xf32>
        %parallel_loop3A_1138 = arith.minimumf %parallel_loop3A_1080, %parallel_loop3A_1137 : vector<16xf32>
        %parallel_loop3A_1139 = arith.mulf %parallel_loop3A_1087, %mul3A_255 : vector<16xf32>
        %parallel_loop3A_1140 = arith.addf %parallel_loop3A_1096, %parallel_loop3A_1139 : vector<16xf32>
        %parallel_loop3A_1141 = arith.mulf %parallel_loop3A_1090, %mul3A_263 : vector<16xf32>
        %parallel_loop3A_1142 = arith.addf %parallel_loop3A_1140, %parallel_loop3A_1141 : vector<16xf32>
        %parallel_loop3A_1143 = arith.mulf %parallel_loop3A_1093, %mul3A_271 : vector<16xf32>
        %parallel_loop3A_1144 = arith.addf %parallel_loop3A_1142, %parallel_loop3A_1143 : vector<16xf32>
        %parallel_loop3A_1145 = arith.minimumf %parallel_loop3A_1081, %parallel_loop3A_1144 : vector<16xf32>
        %parallel_loop3A_1146 = arith.mulf %parallel_loop3A_1087, %mul3A_284 : vector<16xf32>
        %parallel_loop3A_1147 = arith.addf %parallel_loop3A_1096, %parallel_loop3A_1146 : vector<16xf32>
        %parallel_loop3A_1148 = arith.mulf %parallel_loop3A_1090, %mul3A_292 : vector<16xf32>
        %parallel_loop3A_1149 = arith.addf %parallel_loop3A_1147, %parallel_loop3A_1148 : vector<16xf32>
        %parallel_loop3A_1150 = arith.mulf %parallel_loop3A_1093, %mul3A_300 : vector<16xf32>
        %parallel_loop3A_1151 = arith.addf %parallel_loop3A_1149, %parallel_loop3A_1150 : vector<16xf32>
        %parallel_loop3A_1152 = arith.minimumf %parallel_loop3A_1082, %parallel_loop3A_1151 : vector<16xf32>
        scf.yield %parallel_loop3A_1103, %parallel_loop3A_1110, %parallel_loop3A_1117, %parallel_loop3A_1124, %parallel_loop3A_1131, %parallel_loop3A_1138, %parallel_loop3A_1145, %parallel_loop3A_1152 : vector<16xf32>, vector<16xf32>, vector<16xf32>, vector<16xf32>, vector<16xf32>, vector<16xf32>, vector<16xf32>, vector<16xf32>
      } {sc.loop_unroll_factor = 4 : i64, sc.parallel_access}
      %add3A_309 = arith.addf %parallel_loop3A_308#0, %gather3A_102 : vector<16xf32>
      %xor3A = arith.constant 1 : i32
      %xor3A_310 = vector.broadcast %xor3A : i32 to vector<16xi32>
      %xor3A_311 = arith.xori %iota3A, %xor3A_310 : vector<16xi32>
      %reshape3A_312 = vector.shape_cast %xor3A_311 : vector<16xi32> to vector<16x1xi32>
      %gather3A_313 = vector.shape_cast %reshape3A_312 : vector<16x1xi32> to vector<16xi32>
      %gather3A_314 = tpu.dynamic_gather %add3A_309[%gather3A_313] in [0] : vector<16xf32>, vector<16xi32> -> vector<16xf32>
      %min3A = arith.minimumf %add3A_309, %gather3A_314 : vector<16xf32>
      %xor3A_315 = arith.constant 2 : i32
      %xor3A_316 = vector.broadcast %xor3A_315 : i32 to vector<16xi32>
      %xor3A_317 = arith.xori %iota3A, %xor3A_316 : vector<16xi32>
      %reshape3A_318 = vector.shape_cast %xor3A_317 : vector<16xi32> to vector<16x1xi32>
      %gather3A_319 = vector.shape_cast %reshape3A_318 : vector<16x1xi32> to vector<16xi32>
      %gather3A_320 = tpu.dynamic_gather %min3A[%gather3A_319] in [0] : vector<16xf32>, vector<16xi32> -> vector<16xf32>
      %min3A_321 = arith.minimumf %min3A, %gather3A_320 : vector<16xf32>
      %xor3A_322 = arith.constant 4 : i32
      %xor3A_323 = vector.broadcast %xor3A_322 : i32 to vector<16xi32>
      %xor3A_324 = arith.xori %iota3A, %xor3A_323 : vector<16xi32>
      %reshape3A_325 = vector.shape_cast %xor3A_324 : vector<16xi32> to vector<16x1xi32>
      %gather3A_326 = vector.shape_cast %reshape3A_325 : vector<16x1xi32> to vector<16xi32>
      %gather3A_327 = tpu.dynamic_gather %min3A_321[%gather3A_326] in [0] : vector<16xf32>, vector<16xi32> -> vector<16xf32>
      %min3A_328 = arith.minimumf %min3A_321, %gather3A_327 : vector<16xf32>
      %xor3A_329 = arith.constant 8 : i32
      %xor3A_330 = vector.broadcast %xor3A_329 : i32 to vector<16xi32>
      %xor3A_331 = arith.xori %iota3A, %xor3A_330 : vector<16xi32>
      %reshape3A_332 = vector.shape_cast %xor3A_331 : vector<16xi32> to vector<16x1xi32>
      %gather3A_333 = vector.shape_cast %reshape3A_332 : vector<16x1xi32> to vector<16xi32>
      %gather3A_334 = tpu.dynamic_gather %min3A_328[%gather3A_333] in [0] : vector<16xf32>, vector<16xi32> -> vector<16xf32>
      %min3A_335 = arith.minimumf %min3A_328, %gather3A_334 : vector<16xf32>
      %eq3A_336 = arith.constant 0 : i32
      %eq3A_337 = vector.broadcast %eq3A_336 : i32 to vector<16xi32>
      %eq3A_338 = arith.cmpi eq, %iota3A, %eq3A_337 : vector<16xi32>
      %select_n3A_339 = arith.select %eq3A_338, %min3A_335, %broadcast_in_dim3A_75 : vector<16xi1>, vector<16xf32>
      %add3A_340 = arith.addf %parallel_loop3A_308#1, %gather3A_131 : vector<16xf32>
      %xor3A_341 = arith.constant 1 : i32
      %xor3A_342 = vector.broadcast %xor3A_341 : i32 to vector<16xi32>
      %xor3A_343 = arith.xori %iota3A, %xor3A_342 : vector<16xi32>
      %reshape3A_344 = vector.shape_cast %xor3A_343 : vector<16xi32> to vector<16x1xi32>
      %gather3A_345 = vector.shape_cast %reshape3A_344 : vector<16x1xi32> to vector<16xi32>
      %gather3A_346 = tpu.dynamic_gather %add3A_340[%gather3A_345] in [0] : vector<16xf32>, vector<16xi32> -> vector<16xf32>
      %min3A_347 = arith.minimumf %add3A_340, %gather3A_346 : vector<16xf32>
      %xor3A_348 = arith.constant 2 : i32
      %xor3A_349 = vector.broadcast %xor3A_348 : i32 to vector<16xi32>
      %xor3A_350 = arith.xori %iota3A, %xor3A_349 : vector<16xi32>
      %reshape3A_351 = vector.shape_cast %xor3A_350 : vector<16xi32> to vector<16x1xi32>
      %gather3A_352 = vector.shape_cast %reshape3A_351 : vector<16x1xi32> to vector<16xi32>
      %gather3A_353 = tpu.dynamic_gather %min3A_347[%gather3A_352] in [0] : vector<16xf32>, vector<16xi32> -> vector<16xf32>
      %min3A_354 = arith.minimumf %min3A_347, %gather3A_353 : vector<16xf32>
      %xor3A_355 = arith.constant 4 : i32
      %xor3A_356 = vector.broadcast %xor3A_355 : i32 to vector<16xi32>
      %xor3A_357 = arith.xori %iota3A, %xor3A_356 : vector<16xi32>
      %reshape3A_358 = vector.shape_cast %xor3A_357 : vector<16xi32> to vector<16x1xi32>
      %gather3A_359 = vector.shape_cast %reshape3A_358 : vector<16x1xi32> to vector<16xi32>
      %gather3A_360 = tpu.dynamic_gather %min3A_354[%gather3A_359] in [0] : vector<16xf32>, vector<16xi32> -> vector<16xf32>
      %min3A_361 = arith.minimumf %min3A_354, %gather3A_360 : vector<16xf32>
      %xor3A_362 = arith.constant 8 : i32
      %xor3A_363 = vector.broadcast %xor3A_362 : i32 to vector<16xi32>
      %xor3A_364 = arith.xori %iota3A, %xor3A_363 : vector<16xi32>
      %reshape3A_365 = vector.shape_cast %xor3A_364 : vector<16xi32> to vector<16x1xi32>
      %gather3A_366 = vector.shape_cast %reshape3A_365 : vector<16x1xi32> to vector<16xi32>
      %gather3A_367 = tpu.dynamic_gather %min3A_361[%gather3A_366] in [0] : vector<16xf32>, vector<16xi32> -> vector<16xf32>
      %min3A_368 = arith.minimumf %min3A_361, %gather3A_367 : vector<16xf32>
      %eq3A_369 = arith.constant 1 : i32
      %eq3A_370 = vector.broadcast %eq3A_369 : i32 to vector<16xi32>
      %eq3A_371 = arith.cmpi eq, %iota3A, %eq3A_370 : vector<16xi32>
      %select_n3A_372 = arith.select %eq3A_371, %min3A_368, %select_n3A_339 : vector<16xi1>, vector<16xf32>
      %add3A_373 = arith.addf %parallel_loop3A_308#2, %gather3A_160 : vector<16xf32>
      %xor3A_374 = arith.constant 1 : i32
      %xor3A_375 = vector.broadcast %xor3A_374 : i32 to vector<16xi32>
      %xor3A_376 = arith.xori %iota3A, %xor3A_375 : vector<16xi32>
      %reshape3A_377 = vector.shape_cast %xor3A_376 : vector<16xi32> to vector<16x1xi32>
      %gather3A_378 = vector.shape_cast %reshape3A_377 : vector<16x1xi32> to vector<16xi32>
      %gather3A_379 = tpu.dynamic_gather %add3A_373[%gather3A_378] in [0] : vector<16xf32>, vector<16xi32> -> vector<16xf32>
      %min3A_380 = arith.minimumf %add3A_373, %gather3A_379 : vector<16xf32>
      %xor3A_381 = arith.constant 2 : i32
      %xor3A_382 = vector.broadcast %xor3A_381 : i32 to vector<16xi32>
      %xor3A_383 = arith.xori %iota3A, %xor3A_382 : vector<16xi32>
      %reshape3A_384 = vector.shape_cast %xor3A_383 : vector<16xi32> to vector<16x1xi32>
      %gather3A_385 = vector.shape_cast %reshape3A_384 : vector<16x1xi32> to vector<16xi32>
      %gather3A_386 = tpu.dynamic_gather %min3A_380[%gather3A_385] in [0] : vector<16xf32>, vector<16xi32> -> vector<16xf32>
      %min3A_387 = arith.minimumf %min3A_380, %gather3A_386 : vector<16xf32>
      %xor3A_388 = arith.constant 4 : i32
      %xor3A_389 = vector.broadcast %xor3A_388 : i32 to vector<16xi32>
      %xor3A_390 = arith.xori %iota3A, %xor3A_389 : vector<16xi32>
      %reshape3A_391 = vector.shape_cast %xor3A_390 : vector<16xi32> to vector<16x1xi32>
      %gather3A_392 = vector.shape_cast %reshape3A_391 : vector<16x1xi32> to vector<16xi32>
      %gather3A_393 = tpu.dynamic_gather %min3A_387[%gather3A_392] in [0] : vector<16xf32>, vector<16xi32> -> vector<16xf32>
      %min3A_394 = arith.minimumf %min3A_387, %gather3A_393 : vector<16xf32>
      %xor3A_395 = arith.constant 8 : i32
      %xor3A_396 = vector.broadcast %xor3A_395 : i32 to vector<16xi32>
      %xor3A_397 = arith.xori %iota3A, %xor3A_396 : vector<16xi32>
      %reshape3A_398 = vector.shape_cast %xor3A_397 : vector<16xi32> to vector<16x1xi32>
      %gather3A_399 = vector.shape_cast %reshape3A_398 : vector<16x1xi32> to vector<16xi32>
      %gather3A_400 = tpu.dynamic_gather %min3A_394[%gather3A_399] in [0] : vector<16xf32>, vector<16xi32> -> vector<16xf32>
      %min3A_401 = arith.minimumf %min3A_394, %gather3A_400 : vector<16xf32>
      %eq3A_402 = arith.constant 2 : i32
      %eq3A_403 = vector.broadcast %eq3A_402 : i32 to vector<16xi32>
      %eq3A_404 = arith.cmpi eq, %iota3A, %eq3A_403 : vector<16xi32>
      %select_n3A_405 = arith.select %eq3A_404, %min3A_401, %select_n3A_372 : vector<16xi1>, vector<16xf32>
      %add3A_406 = arith.addf %parallel_loop3A_308#3, %gather3A_189 : vector<16xf32>
      %xor3A_407 = arith.constant 1 : i32
      %xor3A_408 = vector.broadcast %xor3A_407 : i32 to vector<16xi32>
      %xor3A_409 = arith.xori %iota3A, %xor3A_408 : vector<16xi32>
      %reshape3A_410 = vector.shape_cast %xor3A_409 : vector<16xi32> to vector<16x1xi32>
      %gather3A_411 = vector.shape_cast %reshape3A_410 : vector<16x1xi32> to vector<16xi32>
      %gather3A_412 = tpu.dynamic_gather %add3A_406[%gather3A_411] in [0] : vector<16xf32>, vector<16xi32> -> vector<16xf32>
      %min3A_413 = arith.minimumf %add3A_406, %gather3A_412 : vector<16xf32>
      %xor3A_414 = arith.constant 2 : i32
      %xor3A_415 = vector.broadcast %xor3A_414 : i32 to vector<16xi32>
      %xor3A_416 = arith.xori %iota3A, %xor3A_415 : vector<16xi32>
      %reshape3A_417 = vector.shape_cast %xor3A_416 : vector<16xi32> to vector<16x1xi32>
      %gather3A_418 = vector.shape_cast %reshape3A_417 : vector<16x1xi32> to vector<16xi32>
      %gather3A_419 = tpu.dynamic_gather %min3A_413[%gather3A_418] in [0] : vector<16xf32>, vector<16xi32> -> vector<16xf32>
      %min3A_420 = arith.minimumf %min3A_413, %gather3A_419 : vector<16xf32>
      %xor3A_421 = arith.constant 4 : i32
      %xor3A_422 = vector.broadcast %xor3A_421 : i32 to vector<16xi32>
      %xor3A_423 = arith.xori %iota3A, %xor3A_422 : vector<16xi32>
      %reshape3A_424 = vector.shape_cast %xor3A_423 : vector<16xi32> to vector<16x1xi32>
      %gather3A_425 = vector.shape_cast %reshape3A_424 : vector<16x1xi32> to vector<16xi32>
      %gather3A_426 = tpu.dynamic_gather %min3A_420[%gather3A_425] in [0] : vector<16xf32>, vector<16xi32> -> vector<16xf32>
      %min3A_427 = arith.minimumf %min3A_420, %gather3A_426 : vector<16xf32>
      %xor3A_428 = arith.constant 8 : i32
      %xor3A_429 = vector.broadcast %xor3A_428 : i32 to vector<16xi32>
      %xor3A_430 = arith.xori %iota3A, %xor3A_429 : vector<16xi32>
      %reshape3A_431 = vector.shape_cast %xor3A_430 : vector<16xi32> to vector<16x1xi32>
      %gather3A_432 = vector.shape_cast %reshape3A_431 : vector<16x1xi32> to vector<16xi32>
      %gather3A_433 = tpu.dynamic_gather %min3A_427[%gather3A_432] in [0] : vector<16xf32>, vector<16xi32> -> vector<16xf32>
      %min3A_434 = arith.minimumf %min3A_427, %gather3A_433 : vector<16xf32>
      %eq3A_435 = arith.constant 3 : i32
      %eq3A_436 = vector.broadcast %eq3A_435 : i32 to vector<16xi32>
      %eq3A_437 = arith.cmpi eq, %iota3A, %eq3A_436 : vector<16xi32>
      %select_n3A_438 = arith.select %eq3A_437, %min3A_434, %select_n3A_405 : vector<16xi1>, vector<16xf32>
      %add3A_439 = arith.addf %parallel_loop3A_308#4, %gather3A_218 : vector<16xf32>
      %xor3A_440 = arith.constant 1 : i32
      %xor3A_441 = vector.broadcast %xor3A_440 : i32 to vector<16xi32>
      %xor3A_442 = arith.xori %iota3A, %xor3A_441 : vector<16xi32>
      %reshape3A_443 = vector.shape_cast %xor3A_442 : vector<16xi32> to vector<16x1xi32>
      %gather3A_444 = vector.shape_cast %reshape3A_443 : vector<16x1xi32> to vector<16xi32>
      %gather3A_445 = tpu.dynamic_gather %add3A_439[%gather3A_444] in [0] : vector<16xf32>, vector<16xi32> -> vector<16xf32>
      %min3A_446 = arith.minimumf %add3A_439, %gather3A_445 : vector<16xf32>
      %xor3A_447 = arith.constant 2 : i32
      %xor3A_448 = vector.broadcast %xor3A_447 : i32 to vector<16xi32>
      %xor3A_449 = arith.xori %iota3A, %xor3A_448 : vector<16xi32>
      %reshape3A_450 = vector.shape_cast %xor3A_449 : vector<16xi32> to vector<16x1xi32>
      %gather3A_451 = vector.shape_cast %reshape3A_450 : vector<16x1xi32> to vector<16xi32>
      %gather3A_452 = tpu.dynamic_gather %min3A_446[%gather3A_451] in [0] : vector<16xf32>, vector<16xi32> -> vector<16xf32>
      %min3A_453 = arith.minimumf %min3A_446, %gather3A_452 : vector<16xf32>
      %xor3A_454 = arith.constant 4 : i32
      %xor3A_455 = vector.broadcast %xor3A_454 : i32 to vector<16xi32>
      %xor3A_456 = arith.xori %iota3A, %xor3A_455 : vector<16xi32>
      %reshape3A_457 = vector.shape_cast %xor3A_456 : vector<16xi32> to vector<16x1xi32>
      %gather3A_458 = vector.shape_cast %reshape3A_457 : vector<16x1xi32> to vector<16xi32>
      %gather3A_459 = tpu.dynamic_gather %min3A_453[%gather3A_458] in [0] : vector<16xf32>, vector<16xi32> -> vector<16xf32>
      %min3A_460 = arith.minimumf %min3A_453, %gather3A_459 : vector<16xf32>
      %xor3A_461 = arith.constant 8 : i32
      %xor3A_462 = vector.broadcast %xor3A_461 : i32 to vector<16xi32>
      %xor3A_463 = arith.xori %iota3A, %xor3A_462 : vector<16xi32>
      %reshape3A_464 = vector.shape_cast %xor3A_463 : vector<16xi32> to vector<16x1xi32>
      %gather3A_465 = vector.shape_cast %reshape3A_464 : vector<16x1xi32> to vector<16xi32>
      %gather3A_466 = tpu.dynamic_gather %min3A_460[%gather3A_465] in [0] : vector<16xf32>, vector<16xi32> -> vector<16xf32>
      %min3A_467 = arith.minimumf %min3A_460, %gather3A_466 : vector<16xf32>
      %eq3A_468 = arith.constant 4 : i32
      %eq3A_469 = vector.broadcast %eq3A_468 : i32 to vector<16xi32>
      %eq3A_470 = arith.cmpi eq, %iota3A, %eq3A_469 : vector<16xi32>
      %select_n3A_471 = arith.select %eq3A_470, %min3A_467, %select_n3A_438 : vector<16xi1>, vector<16xf32>
      %add3A_472 = arith.addf %parallel_loop3A_308#5, %gather3A_247 : vector<16xf32>
      %xor3A_473 = arith.constant 1 : i32
      %xor3A_474 = vector.broadcast %xor3A_473 : i32 to vector<16xi32>
      %xor3A_475 = arith.xori %iota3A, %xor3A_474 : vector<16xi32>
      %reshape3A_476 = vector.shape_cast %xor3A_475 : vector<16xi32> to vector<16x1xi32>
      %gather3A_477 = vector.shape_cast %reshape3A_476 : vector<16x1xi32> to vector<16xi32>
      %gather3A_478 = tpu.dynamic_gather %add3A_472[%gather3A_477] in [0] : vector<16xf32>, vector<16xi32> -> vector<16xf32>
      %min3A_479 = arith.minimumf %add3A_472, %gather3A_478 : vector<16xf32>
      %xor3A_480 = arith.constant 2 : i32
      %xor3A_481 = vector.broadcast %xor3A_480 : i32 to vector<16xi32>
      %xor3A_482 = arith.xori %iota3A, %xor3A_481 : vector<16xi32>
      %reshape3A_483 = vector.shape_cast %xor3A_482 : vector<16xi32> to vector<16x1xi32>
      %gather3A_484 = vector.shape_cast %reshape3A_483 : vector<16x1xi32> to vector<16xi32>
      %gather3A_485 = tpu.dynamic_gather %min3A_479[%gather3A_484] in [0] : vector<16xf32>, vector<16xi32> -> vector<16xf32>
      %min3A_486 = arith.minimumf %min3A_479, %gather3A_485 : vector<16xf32>
      %xor3A_487 = arith.constant 4 : i32
      %xor3A_488 = vector.broadcast %xor3A_487 : i32 to vector<16xi32>
      %xor3A_489 = arith.xori %iota3A, %xor3A_488 : vector<16xi32>
      %reshape3A_490 = vector.shape_cast %xor3A_489 : vector<16xi32> to vector<16x1xi32>
      %gather3A_491 = vector.shape_cast %reshape3A_490 : vector<16x1xi32> to vector<16xi32>
      %gather3A_492 = tpu.dynamic_gather %min3A_486[%gather3A_491] in [0] : vector<16xf32>, vector<16xi32> -> vector<16xf32>
      %min3A_493 = arith.minimumf %min3A_486, %gather3A_492 : vector<16xf32>
      %xor3A_494 = arith.constant 8 : i32
      %xor3A_495 = vector.broadcast %xor3A_494 : i32 to vector<16xi32>
      %xor3A_496 = arith.xori %iota3A, %xor3A_495 : vector<16xi32>
      %reshape3A_497 = vector.shape_cast %xor3A_496 : vector<16xi32> to vector<16x1xi32>
      %gather3A_498 = vector.shape_cast %reshape3A_497 : vector<16x1xi32> to vector<16xi32>
      %gather3A_499 = tpu.dynamic_gather %min3A_493[%gather3A_498] in [0] : vector<16xf32>, vector<16xi32> -> vector<16xf32>
      %min3A_500 = arith.minimumf %min3A_493, %gather3A_499 : vector<16xf32>
      %eq3A_501 = arith.constant 5 : i32
      %eq3A_502 = vector.broadcast %eq3A_501 : i32 to vector<16xi32>
      %eq3A_503 = arith.cmpi eq, %iota3A, %eq3A_502 : vector<16xi32>
      %select_n3A_504 = arith.select %eq3A_503, %min3A_500, %select_n3A_471 : vector<16xi1>, vector<16xf32>
      %add3A_505 = arith.addf %parallel_loop3A_308#6, %gather3A_276 : vector<16xf32>
      %xor3A_506 = arith.constant 1 : i32
      %xor3A_507 = vector.broadcast %xor3A_506 : i32 to vector<16xi32>
      %xor3A_508 = arith.xori %iota3A, %xor3A_507 : vector<16xi32>
      %reshape3A_509 = vector.shape_cast %xor3A_508 : vector<16xi32> to vector<16x1xi32>
      %gather3A_510 = vector.shape_cast %reshape3A_509 : vector<16x1xi32> to vector<16xi32>
      %gather3A_511 = tpu.dynamic_gather %add3A_505[%gather3A_510] in [0] : vector<16xf32>, vector<16xi32> -> vector<16xf32>
      %min3A_512 = arith.minimumf %add3A_505, %gather3A_511 : vector<16xf32>
      %xor3A_513 = arith.constant 2 : i32
      %xor3A_514 = vector.broadcast %xor3A_513 : i32 to vector<16xi32>
      %xor3A_515 = arith.xori %iota3A, %xor3A_514 : vector<16xi32>
      %reshape3A_516 = vector.shape_cast %xor3A_515 : vector<16xi32> to vector<16x1xi32>
      %gather3A_517 = vector.shape_cast %reshape3A_516 : vector<16x1xi32> to vector<16xi32>
      %gather3A_518 = tpu.dynamic_gather %min3A_512[%gather3A_517] in [0] : vector<16xf32>, vector<16xi32> -> vector<16xf32>
      %min3A_519 = arith.minimumf %min3A_512, %gather3A_518 : vector<16xf32>
      %xor3A_520 = arith.constant 4 : i32
      %xor3A_521 = vector.broadcast %xor3A_520 : i32 to vector<16xi32>
      %xor3A_522 = arith.xori %iota3A, %xor3A_521 : vector<16xi32>
      %reshape3A_523 = vector.shape_cast %xor3A_522 : vector<16xi32> to vector<16x1xi32>
      %gather3A_524 = vector.shape_cast %reshape3A_523 : vector<16x1xi32> to vector<16xi32>
      %gather3A_525 = tpu.dynamic_gather %min3A_519[%gather3A_524] in [0] : vector<16xf32>, vector<16xi32> -> vector<16xf32>
      %min3A_526 = arith.minimumf %min3A_519, %gather3A_525 : vector<16xf32>
      %xor3A_527 = arith.constant 8 : i32
      %xor3A_528 = vector.broadcast %xor3A_527 : i32 to vector<16xi32>
      %xor3A_529 = arith.xori %iota3A, %xor3A_528 : vector<16xi32>
      %reshape3A_530 = vector.shape_cast %xor3A_529 : vector<16xi32> to vector<16x1xi32>
      %gather3A_531 = vector.shape_cast %reshape3A_530 : vector<16x1xi32> to vector<16xi32>
      %gather3A_532 = tpu.dynamic_gather %min3A_526[%gather3A_531] in [0] : vector<16xf32>, vector<16xi32> -> vector<16xf32>
      %min3A_533 = arith.minimumf %min3A_526, %gather3A_532 : vector<16xf32>
      %eq3A_534 = arith.constant 6 : i32
      %eq3A_535 = vector.broadcast %eq3A_534 : i32 to vector<16xi32>
      %eq3A_536 = arith.cmpi eq, %iota3A, %eq3A_535 : vector<16xi32>
      %select_n3A_537 = arith.select %eq3A_536, %min3A_533, %select_n3A_504 : vector<16xi1>, vector<16xf32>
      %add3A_538 = arith.addf %parallel_loop3A_308#7, %gather3A_305 : vector<16xf32>
      %xor3A_539 = arith.constant 1 : i32
      %xor3A_540 = vector.broadcast %xor3A_539 : i32 to vector<16xi32>
      %xor3A_541 = arith.xori %iota3A, %xor3A_540 : vector<16xi32>
      %reshape3A_542 = vector.shape_cast %xor3A_541 : vector<16xi32> to vector<16x1xi32>
      %gather3A_543 = vector.shape_cast %reshape3A_542 : vector<16x1xi32> to vector<16xi32>
      %gather3A_544 = tpu.dynamic_gather %add3A_538[%gather3A_543] in [0] : vector<16xf32>, vector<16xi32> -> vector<16xf32>
      %min3A_545 = arith.minimumf %add3A_538, %gather3A_544 : vector<16xf32>
      %xor3A_546 = arith.constant 2 : i32
      %xor3A_547 = vector.broadcast %xor3A_546 : i32 to vector<16xi32>
      %xor3A_548 = arith.xori %iota3A, %xor3A_547 : vector<16xi32>
      %reshape3A_549 = vector.shape_cast %xor3A_548 : vector<16xi32> to vector<16x1xi32>
      %gather3A_550 = vector.shape_cast %reshape3A_549 : vector<16x1xi32> to vector<16xi32>
      %gather3A_551 = tpu.dynamic_gather %min3A_545[%gather3A_550] in [0] : vector<16xf32>, vector<16xi32> -> vector<16xf32>
      %min3A_552 = arith.minimumf %min3A_545, %gather3A_551 : vector<16xf32>
      %xor3A_553 = arith.constant 4 : i32
      %xor3A_554 = vector.broadcast %xor3A_553 : i32 to vector<16xi32>
      %xor3A_555 = arith.xori %iota3A, %xor3A_554 : vector<16xi32>
      %reshape3A_556 = vector.shape_cast %xor3A_555 : vector<16xi32> to vector<16x1xi32>
      %gather3A_557 = vector.shape_cast %reshape3A_556 : vector<16x1xi32> to vector<16xi32>
      %gather3A_558 = tpu.dynamic_gather %min3A_552[%gather3A_557] in [0] : vector<16xf32>, vector<16xi32> -> vector<16xf32>
      %min3A_559 = arith.minimumf %min3A_552, %gather3A_558 : vector<16xf32>
      %xor3A_560 = arith.constant 8 : i32
      %xor3A_561 = vector.broadcast %xor3A_560 : i32 to vector<16xi32>
      %xor3A_562 = arith.xori %iota3A, %xor3A_561 : vector<16xi32>
      %reshape3A_563 = vector.shape_cast %xor3A_562 : vector<16xi32> to vector<16x1xi32>
      %gather3A_564 = vector.shape_cast %reshape3A_563 : vector<16x1xi32> to vector<16xi32>
      %gather3A_565 = tpu.dynamic_gather %min3A_559[%gather3A_564] in [0] : vector<16xf32>, vector<16xi32> -> vector<16xf32>
      %min3A_566 = arith.minimumf %min3A_559, %gather3A_565 : vector<16xf32>
      %eq3A_567 = arith.constant 7 : i32
      %eq3A_568 = vector.broadcast %eq3A_567 : i32 to vector<16xi32>
      %eq3A_569 = arith.cmpi eq, %iota3A, %eq3A_568 : vector<16xi32>
      %select_n3A_570 = arith.select %eq3A_569, %min3A_566, %select_n3A_537 : vector<16xi1>, vector<16xf32>
      %broadcast_in_dim3A_571 = arith.constant 8 : i32
      %broadcast_in_dim3A_572 = vector.broadcast %broadcast_in_dim3A_571 : i32 to vector<16xi32>
      %reshape3A_573 = vector.shape_cast %broadcast_in_dim3A_572 : vector<16xi32> to vector<16x1xi32>
      %gather3A_574 = vector.shape_cast %reshape3A_573 : vector<16x1xi32> to vector<16xi32>
      %gather3A_575 = tpu.dynamic_gather %get3A_64[%gather3A_574] in [0] : vector<16xf32>, vector<16xi32> -> vector<16xf32>
      %mul3A_576 = arith.constant -2.000000e+00 : f32
      %mul3A_577 = vector.broadcast %mul3A_576 : f32 to vector<16xf32>
      %mul3A_578 = arith.mulf %gather3A_575, %mul3A_577 : vector<16xf32>
      %broadcast_in_dim3A_579 = arith.constant 8 : i32
      %broadcast_in_dim3A_580 = vector.broadcast %broadcast_in_dim3A_579 : i32 to vector<16xi32>
      %reshape3A_581 = vector.shape_cast %broadcast_in_dim3A_580 : vector<16xi32> to vector<16x1xi32>
      %gather3A_582 = vector.shape_cast %reshape3A_581 : vector<16x1xi32> to vector<16xi32>
      %gather3A_583 = tpu.dynamic_gather %get3A_67[%gather3A_582] in [0] : vector<16xf32>, vector<16xi32> -> vector<16xf32>
      %mul3A_584 = arith.constant -2.000000e+00 : f32
      %mul3A_585 = vector.broadcast %mul3A_584 : f32 to vector<16xf32>
      %mul3A_586 = arith.mulf %gather3A_583, %mul3A_585 : vector<16xf32>
      %broadcast_in_dim3A_587 = arith.constant 8 : i32
      %broadcast_in_dim3A_588 = vector.broadcast %broadcast_in_dim3A_587 : i32 to vector<16xi32>
      %reshape3A_589 = vector.shape_cast %broadcast_in_dim3A_588 : vector<16xi32> to vector<16x1xi32>
      %gather3A_590 = vector.shape_cast %reshape3A_589 : vector<16x1xi32> to vector<16xi32>
      %gather3A_591 = tpu.dynamic_gather %get3A_70[%gather3A_590] in [0] : vector<16xf32>, vector<16xi32> -> vector<16xf32>
      %mul3A_592 = arith.constant -2.000000e+00 : f32
      %mul3A_593 = vector.broadcast %mul3A_592 : f32 to vector<16xf32>
      %mul3A_594 = arith.mulf %gather3A_591, %mul3A_593 : vector<16xf32>
      %broadcast_in_dim3A_595 = arith.constant 8 : i32
      %broadcast_in_dim3A_596 = vector.broadcast %broadcast_in_dim3A_595 : i32 to vector<16xi32>
      %reshape3A_597 = vector.shape_cast %broadcast_in_dim3A_596 : vector<16xi32> to vector<16x1xi32>
      %gather3A_598 = vector.shape_cast %reshape3A_597 : vector<16x1xi32> to vector<16xi32>
      %gather3A_599 = tpu.dynamic_gather %get3A_73[%gather3A_598] in [0] : vector<16xf32>, vector<16xi32> -> vector<16xf32>
      %broadcast_in_dim3A_600 = arith.constant 9 : i32
      %broadcast_in_dim3A_601 = vector.broadcast %broadcast_in_dim3A_600 : i32 to vector<16xi32>
      %reshape3A_602 = vector.shape_cast %broadcast_in_dim3A_601 : vector<16xi32> to vector<16x1xi32>
      %gather3A_603 = vector.shape_cast %reshape3A_602 : vector<16x1xi32> to vector<16xi32>
      %gather3A_604 = tpu.dynamic_gather %get3A_64[%gather3A_603] in [0] : vector<16xf32>, vector<16xi32> -> vector<16xf32>
      %mul3A_605 = arith.constant -2.000000e+00 : f32
      %mul3A_606 = vector.broadcast %mul3A_605 : f32 to vector<16xf32>
      %mul3A_607 = arith.mulf %gather3A_604, %mul3A_606 : vector<16xf32>
      %broadcast_in_dim3A_608 = arith.constant 9 : i32
      %broadcast_in_dim3A_609 = vector.broadcast %broadcast_in_dim3A_608 : i32 to vector<16xi32>
      %reshape3A_610 = vector.shape_cast %broadcast_in_dim3A_609 : vector<16xi32> to vector<16x1xi32>
      %gather3A_611 = vector.shape_cast %reshape3A_610 : vector<16x1xi32> to vector<16xi32>
      %gather3A_612 = tpu.dynamic_gather %get3A_67[%gather3A_611] in [0] : vector<16xf32>, vector<16xi32> -> vector<16xf32>
      %mul3A_613 = arith.constant -2.000000e+00 : f32
      %mul3A_614 = vector.broadcast %mul3A_613 : f32 to vector<16xf32>
      %mul3A_615 = arith.mulf %gather3A_612, %mul3A_614 : vector<16xf32>
      %broadcast_in_dim3A_616 = arith.constant 9 : i32
      %broadcast_in_dim3A_617 = vector.broadcast %broadcast_in_dim3A_616 : i32 to vector<16xi32>
      %reshape3A_618 = vector.shape_cast %broadcast_in_dim3A_617 : vector<16xi32> to vector<16x1xi32>
      %gather3A_619 = vector.shape_cast %reshape3A_618 : vector<16x1xi32> to vector<16xi32>
      %gather3A_620 = tpu.dynamic_gather %get3A_70[%gather3A_619] in [0] : vector<16xf32>, vector<16xi32> -> vector<16xf32>
      %mul3A_621 = arith.constant -2.000000e+00 : f32
      %mul3A_622 = vector.broadcast %mul3A_621 : f32 to vector<16xf32>
      %mul3A_623 = arith.mulf %gather3A_620, %mul3A_622 : vector<16xf32>
      %broadcast_in_dim3A_624 = arith.constant 9 : i32
      %broadcast_in_dim3A_625 = vector.broadcast %broadcast_in_dim3A_624 : i32 to vector<16xi32>
      %reshape3A_626 = vector.shape_cast %broadcast_in_dim3A_625 : vector<16xi32> to vector<16x1xi32>
      %gather3A_627 = vector.shape_cast %reshape3A_626 : vector<16x1xi32> to vector<16xi32>
      %gather3A_628 = tpu.dynamic_gather %get3A_73[%gather3A_627] in [0] : vector<16xf32>, vector<16xi32> -> vector<16xf32>
      %broadcast_in_dim3A_629 = arith.constant 10 : i32
      %broadcast_in_dim3A_630 = vector.broadcast %broadcast_in_dim3A_629 : i32 to vector<16xi32>
      %reshape3A_631 = vector.shape_cast %broadcast_in_dim3A_630 : vector<16xi32> to vector<16x1xi32>
      %gather3A_632 = vector.shape_cast %reshape3A_631 : vector<16x1xi32> to vector<16xi32>
      %gather3A_633 = tpu.dynamic_gather %get3A_64[%gather3A_632] in [0] : vector<16xf32>, vector<16xi32> -> vector<16xf32>
      %mul3A_634 = arith.constant -2.000000e+00 : f32
      %mul3A_635 = vector.broadcast %mul3A_634 : f32 to vector<16xf32>
      %mul3A_636 = arith.mulf %gather3A_633, %mul3A_635 : vector<16xf32>
      %broadcast_in_dim3A_637 = arith.constant 10 : i32
      %broadcast_in_dim3A_638 = vector.broadcast %broadcast_in_dim3A_637 : i32 to vector<16xi32>
      %reshape3A_639 = vector.shape_cast %broadcast_in_dim3A_638 : vector<16xi32> to vector<16x1xi32>
      %gather3A_640 = vector.shape_cast %reshape3A_639 : vector<16x1xi32> to vector<16xi32>
      %gather3A_641 = tpu.dynamic_gather %get3A_67[%gather3A_640] in [0] : vector<16xf32>, vector<16xi32> -> vector<16xf32>
      %mul3A_642 = arith.constant -2.000000e+00 : f32
      %mul3A_643 = vector.broadcast %mul3A_642 : f32 to vector<16xf32>
      %mul3A_644 = arith.mulf %gather3A_641, %mul3A_643 : vector<16xf32>
      %broadcast_in_dim3A_645 = arith.constant 10 : i32
      %broadcast_in_dim3A_646 = vector.broadcast %broadcast_in_dim3A_645 : i32 to vector<16xi32>
      %reshape3A_647 = vector.shape_cast %broadcast_in_dim3A_646 : vector<16xi32> to vector<16x1xi32>
      %gather3A_648 = vector.shape_cast %reshape3A_647 : vector<16x1xi32> to vector<16xi32>
      %gather3A_649 = tpu.dynamic_gather %get3A_70[%gather3A_648] in [0] : vector<16xf32>, vector<16xi32> -> vector<16xf32>
      %mul3A_650 = arith.constant -2.000000e+00 : f32
      %mul3A_651 = vector.broadcast %mul3A_650 : f32 to vector<16xf32>
      %mul3A_652 = arith.mulf %gather3A_649, %mul3A_651 : vector<16xf32>
      %broadcast_in_dim3A_653 = arith.constant 10 : i32
      %broadcast_in_dim3A_654 = vector.broadcast %broadcast_in_dim3A_653 : i32 to vector<16xi32>
      %reshape3A_655 = vector.shape_cast %broadcast_in_dim3A_654 : vector<16xi32> to vector<16x1xi32>
      %gather3A_656 = vector.shape_cast %reshape3A_655 : vector<16x1xi32> to vector<16xi32>
      %gather3A_657 = tpu.dynamic_gather %get3A_73[%gather3A_656] in [0] : vector<16xf32>, vector<16xi32> -> vector<16xf32>
      %broadcast_in_dim3A_658 = arith.constant 11 : i32
      %broadcast_in_dim3A_659 = vector.broadcast %broadcast_in_dim3A_658 : i32 to vector<16xi32>
      %reshape3A_660 = vector.shape_cast %broadcast_in_dim3A_659 : vector<16xi32> to vector<16x1xi32>
      %gather3A_661 = vector.shape_cast %reshape3A_660 : vector<16x1xi32> to vector<16xi32>
      %gather3A_662 = tpu.dynamic_gather %get3A_64[%gather3A_661] in [0] : vector<16xf32>, vector<16xi32> -> vector<16xf32>
      %mul3A_663 = arith.constant -2.000000e+00 : f32
      %mul3A_664 = vector.broadcast %mul3A_663 : f32 to vector<16xf32>
      %mul3A_665 = arith.mulf %gather3A_662, %mul3A_664 : vector<16xf32>
      %broadcast_in_dim3A_666 = arith.constant 11 : i32
      %broadcast_in_dim3A_667 = vector.broadcast %broadcast_in_dim3A_666 : i32 to vector<16xi32>
      %reshape3A_668 = vector.shape_cast %broadcast_in_dim3A_667 : vector<16xi32> to vector<16x1xi32>
      %gather3A_669 = vector.shape_cast %reshape3A_668 : vector<16x1xi32> to vector<16xi32>
      %gather3A_670 = tpu.dynamic_gather %get3A_67[%gather3A_669] in [0] : vector<16xf32>, vector<16xi32> -> vector<16xf32>
      %mul3A_671 = arith.constant -2.000000e+00 : f32
      %mul3A_672 = vector.broadcast %mul3A_671 : f32 to vector<16xf32>
      %mul3A_673 = arith.mulf %gather3A_670, %mul3A_672 : vector<16xf32>
      %broadcast_in_dim3A_674 = arith.constant 11 : i32
      %broadcast_in_dim3A_675 = vector.broadcast %broadcast_in_dim3A_674 : i32 to vector<16xi32>
      %reshape3A_676 = vector.shape_cast %broadcast_in_dim3A_675 : vector<16xi32> to vector<16x1xi32>
      %gather3A_677 = vector.shape_cast %reshape3A_676 : vector<16x1xi32> to vector<16xi32>
      %gather3A_678 = tpu.dynamic_gather %get3A_70[%gather3A_677] in [0] : vector<16xf32>, vector<16xi32> -> vector<16xf32>
      %mul3A_679 = arith.constant -2.000000e+00 : f32
      %mul3A_680 = vector.broadcast %mul3A_679 : f32 to vector<16xf32>
      %mul3A_681 = arith.mulf %gather3A_678, %mul3A_680 : vector<16xf32>
      %broadcast_in_dim3A_682 = arith.constant 11 : i32
      %broadcast_in_dim3A_683 = vector.broadcast %broadcast_in_dim3A_682 : i32 to vector<16xi32>
      %reshape3A_684 = vector.shape_cast %broadcast_in_dim3A_683 : vector<16xi32> to vector<16x1xi32>
      %gather3A_685 = vector.shape_cast %reshape3A_684 : vector<16x1xi32> to vector<16xi32>
      %gather3A_686 = tpu.dynamic_gather %get3A_73[%gather3A_685] in [0] : vector<16xf32>, vector<16xi32> -> vector<16xf32>
      %broadcast_in_dim3A_687 = arith.constant 12 : i32
      %broadcast_in_dim3A_688 = vector.broadcast %broadcast_in_dim3A_687 : i32 to vector<16xi32>
      %reshape3A_689 = vector.shape_cast %broadcast_in_dim3A_688 : vector<16xi32> to vector<16x1xi32>
      %gather3A_690 = vector.shape_cast %reshape3A_689 : vector<16x1xi32> to vector<16xi32>
      %gather3A_691 = tpu.dynamic_gather %get3A_64[%gather3A_690] in [0] : vector<16xf32>, vector<16xi32> -> vector<16xf32>
      %mul3A_692 = arith.constant -2.000000e+00 : f32
      %mul3A_693 = vector.broadcast %mul3A_692 : f32 to vector<16xf32>
      %mul3A_694 = arith.mulf %gather3A_691, %mul3A_693 : vector<16xf32>
      %broadcast_in_dim3A_695 = arith.constant 12 : i32
      %broadcast_in_dim3A_696 = vector.broadcast %broadcast_in_dim3A_695 : i32 to vector<16xi32>
      %reshape3A_697 = vector.shape_cast %broadcast_in_dim3A_696 : vector<16xi32> to vector<16x1xi32>
      %gather3A_698 = vector.shape_cast %reshape3A_697 : vector<16x1xi32> to vector<16xi32>
      %gather3A_699 = tpu.dynamic_gather %get3A_67[%gather3A_698] in [0] : vector<16xf32>, vector<16xi32> -> vector<16xf32>
      %mul3A_700 = arith.constant -2.000000e+00 : f32
      %mul3A_701 = vector.broadcast %mul3A_700 : f32 to vector<16xf32>
      %mul3A_702 = arith.mulf %gather3A_699, %mul3A_701 : vector<16xf32>
      %broadcast_in_dim3A_703 = arith.constant 12 : i32
      %broadcast_in_dim3A_704 = vector.broadcast %broadcast_in_dim3A_703 : i32 to vector<16xi32>
      %reshape3A_705 = vector.shape_cast %broadcast_in_dim3A_704 : vector<16xi32> to vector<16x1xi32>
      %gather3A_706 = vector.shape_cast %reshape3A_705 : vector<16x1xi32> to vector<16xi32>
      %gather3A_707 = tpu.dynamic_gather %get3A_70[%gather3A_706] in [0] : vector<16xf32>, vector<16xi32> -> vector<16xf32>
      %mul3A_708 = arith.constant -2.000000e+00 : f32
      %mul3A_709 = vector.broadcast %mul3A_708 : f32 to vector<16xf32>
      %mul3A_710 = arith.mulf %gather3A_707, %mul3A_709 : vector<16xf32>
      %broadcast_in_dim3A_711 = arith.constant 12 : i32
      %broadcast_in_dim3A_712 = vector.broadcast %broadcast_in_dim3A_711 : i32 to vector<16xi32>
      %reshape3A_713 = vector.shape_cast %broadcast_in_dim3A_712 : vector<16xi32> to vector<16x1xi32>
      %gather3A_714 = vector.shape_cast %reshape3A_713 : vector<16x1xi32> to vector<16xi32>
      %gather3A_715 = tpu.dynamic_gather %get3A_73[%gather3A_714] in [0] : vector<16xf32>, vector<16xi32> -> vector<16xf32>
      %broadcast_in_dim3A_716 = arith.constant 13 : i32
      %broadcast_in_dim3A_717 = vector.broadcast %broadcast_in_dim3A_716 : i32 to vector<16xi32>
      %reshape3A_718 = vector.shape_cast %broadcast_in_dim3A_717 : vector<16xi32> to vector<16x1xi32>
      %gather3A_719 = vector.shape_cast %reshape3A_718 : vector<16x1xi32> to vector<16xi32>
      %gather3A_720 = tpu.dynamic_gather %get3A_64[%gather3A_719] in [0] : vector<16xf32>, vector<16xi32> -> vector<16xf32>
      %mul3A_721 = arith.constant -2.000000e+00 : f32
      %mul3A_722 = vector.broadcast %mul3A_721 : f32 to vector<16xf32>
      %mul3A_723 = arith.mulf %gather3A_720, %mul3A_722 : vector<16xf32>
      %broadcast_in_dim3A_724 = arith.constant 13 : i32
      %broadcast_in_dim3A_725 = vector.broadcast %broadcast_in_dim3A_724 : i32 to vector<16xi32>
      %reshape3A_726 = vector.shape_cast %broadcast_in_dim3A_725 : vector<16xi32> to vector<16x1xi32>
      %gather3A_727 = vector.shape_cast %reshape3A_726 : vector<16x1xi32> to vector<16xi32>
      %gather3A_728 = tpu.dynamic_gather %get3A_67[%gather3A_727] in [0] : vector<16xf32>, vector<16xi32> -> vector<16xf32>
      %mul3A_729 = arith.constant -2.000000e+00 : f32
      %mul3A_730 = vector.broadcast %mul3A_729 : f32 to vector<16xf32>
      %mul3A_731 = arith.mulf %gather3A_728, %mul3A_730 : vector<16xf32>
      %broadcast_in_dim3A_732 = arith.constant 13 : i32
      %broadcast_in_dim3A_733 = vector.broadcast %broadcast_in_dim3A_732 : i32 to vector<16xi32>
      %reshape3A_734 = vector.shape_cast %broadcast_in_dim3A_733 : vector<16xi32> to vector<16x1xi32>
      %gather3A_735 = vector.shape_cast %reshape3A_734 : vector<16x1xi32> to vector<16xi32>
      %gather3A_736 = tpu.dynamic_gather %get3A_70[%gather3A_735] in [0] : vector<16xf32>, vector<16xi32> -> vector<16xf32>
      %mul3A_737 = arith.constant -2.000000e+00 : f32
      %mul3A_738 = vector.broadcast %mul3A_737 : f32 to vector<16xf32>
      %mul3A_739 = arith.mulf %gather3A_736, %mul3A_738 : vector<16xf32>
      %broadcast_in_dim3A_740 = arith.constant 13 : i32
      %broadcast_in_dim3A_741 = vector.broadcast %broadcast_in_dim3A_740 : i32 to vector<16xi32>
      %reshape3A_742 = vector.shape_cast %broadcast_in_dim3A_741 : vector<16xi32> to vector<16x1xi32>
      %gather3A_743 = vector.shape_cast %reshape3A_742 : vector<16x1xi32> to vector<16xi32>
      %gather3A_744 = tpu.dynamic_gather %get3A_73[%gather3A_743] in [0] : vector<16xf32>, vector<16xi32> -> vector<16xf32>
      %broadcast_in_dim3A_745 = arith.constant 14 : i32
      %broadcast_in_dim3A_746 = vector.broadcast %broadcast_in_dim3A_745 : i32 to vector<16xi32>
      %reshape3A_747 = vector.shape_cast %broadcast_in_dim3A_746 : vector<16xi32> to vector<16x1xi32>
      %gather3A_748 = vector.shape_cast %reshape3A_747 : vector<16x1xi32> to vector<16xi32>
      %gather3A_749 = tpu.dynamic_gather %get3A_64[%gather3A_748] in [0] : vector<16xf32>, vector<16xi32> -> vector<16xf32>
      %mul3A_750 = arith.constant -2.000000e+00 : f32
      %mul3A_751 = vector.broadcast %mul3A_750 : f32 to vector<16xf32>
      %mul3A_752 = arith.mulf %gather3A_749, %mul3A_751 : vector<16xf32>
      %broadcast_in_dim3A_753 = arith.constant 14 : i32
      %broadcast_in_dim3A_754 = vector.broadcast %broadcast_in_dim3A_753 : i32 to vector<16xi32>
      %reshape3A_755 = vector.shape_cast %broadcast_in_dim3A_754 : vector<16xi32> to vector<16x1xi32>
      %gather3A_756 = vector.shape_cast %reshape3A_755 : vector<16x1xi32> to vector<16xi32>
      %gather3A_757 = tpu.dynamic_gather %get3A_67[%gather3A_756] in [0] : vector<16xf32>, vector<16xi32> -> vector<16xf32>
      %mul3A_758 = arith.constant -2.000000e+00 : f32
      %mul3A_759 = vector.broadcast %mul3A_758 : f32 to vector<16xf32>
      %mul3A_760 = arith.mulf %gather3A_757, %mul3A_759 : vector<16xf32>
      %broadcast_in_dim3A_761 = arith.constant 14 : i32
      %broadcast_in_dim3A_762 = vector.broadcast %broadcast_in_dim3A_761 : i32 to vector<16xi32>
      %reshape3A_763 = vector.shape_cast %broadcast_in_dim3A_762 : vector<16xi32> to vector<16x1xi32>
      %gather3A_764 = vector.shape_cast %reshape3A_763 : vector<16x1xi32> to vector<16xi32>
      %gather3A_765 = tpu.dynamic_gather %get3A_70[%gather3A_764] in [0] : vector<16xf32>, vector<16xi32> -> vector<16xf32>
      %mul3A_766 = arith.constant -2.000000e+00 : f32
      %mul3A_767 = vector.broadcast %mul3A_766 : f32 to vector<16xf32>
      %mul3A_768 = arith.mulf %gather3A_765, %mul3A_767 : vector<16xf32>
      %broadcast_in_dim3A_769 = arith.constant 14 : i32
      %broadcast_in_dim3A_770 = vector.broadcast %broadcast_in_dim3A_769 : i32 to vector<16xi32>
      %reshape3A_771 = vector.shape_cast %broadcast_in_dim3A_770 : vector<16xi32> to vector<16x1xi32>
      %gather3A_772 = vector.shape_cast %reshape3A_771 : vector<16x1xi32> to vector<16xi32>
      %gather3A_773 = tpu.dynamic_gather %get3A_73[%gather3A_772] in [0] : vector<16xf32>, vector<16xi32> -> vector<16xf32>
      %broadcast_in_dim3A_774 = arith.constant 15 : i32
      %broadcast_in_dim3A_775 = vector.broadcast %broadcast_in_dim3A_774 : i32 to vector<16xi32>
      %reshape3A_776 = vector.shape_cast %broadcast_in_dim3A_775 : vector<16xi32> to vector<16x1xi32>
      %gather3A_777 = vector.shape_cast %reshape3A_776 : vector<16x1xi32> to vector<16xi32>
      %gather3A_778 = tpu.dynamic_gather %get3A_64[%gather3A_777] in [0] : vector<16xf32>, vector<16xi32> -> vector<16xf32>
      %mul3A_779 = arith.constant -2.000000e+00 : f32
      %mul3A_780 = vector.broadcast %mul3A_779 : f32 to vector<16xf32>
      %mul3A_781 = arith.mulf %gather3A_778, %mul3A_780 : vector<16xf32>
      %broadcast_in_dim3A_782 = arith.constant 15 : i32
      %broadcast_in_dim3A_783 = vector.broadcast %broadcast_in_dim3A_782 : i32 to vector<16xi32>
      %reshape3A_784 = vector.shape_cast %broadcast_in_dim3A_783 : vector<16xi32> to vector<16x1xi32>
      %gather3A_785 = vector.shape_cast %reshape3A_784 : vector<16x1xi32> to vector<16xi32>
      %gather3A_786 = tpu.dynamic_gather %get3A_67[%gather3A_785] in [0] : vector<16xf32>, vector<16xi32> -> vector<16xf32>
      %mul3A_787 = arith.constant -2.000000e+00 : f32
      %mul3A_788 = vector.broadcast %mul3A_787 : f32 to vector<16xf32>
      %mul3A_789 = arith.mulf %gather3A_786, %mul3A_788 : vector<16xf32>
      %broadcast_in_dim3A_790 = arith.constant 15 : i32
      %broadcast_in_dim3A_791 = vector.broadcast %broadcast_in_dim3A_790 : i32 to vector<16xi32>
      %reshape3A_792 = vector.shape_cast %broadcast_in_dim3A_791 : vector<16xi32> to vector<16x1xi32>
      %gather3A_793 = vector.shape_cast %reshape3A_792 : vector<16x1xi32> to vector<16xi32>
      %gather3A_794 = tpu.dynamic_gather %get3A_70[%gather3A_793] in [0] : vector<16xf32>, vector<16xi32> -> vector<16xf32>
      %mul3A_795 = arith.constant -2.000000e+00 : f32
      %mul3A_796 = vector.broadcast %mul3A_795 : f32 to vector<16xf32>
      %mul3A_797 = arith.mulf %gather3A_794, %mul3A_796 : vector<16xf32>
      %broadcast_in_dim3A_798 = arith.constant 15 : i32
      %broadcast_in_dim3A_799 = vector.broadcast %broadcast_in_dim3A_798 : i32 to vector<16xi32>
      %reshape3A_800 = vector.shape_cast %broadcast_in_dim3A_799 : vector<16xi32> to vector<16x1xi32>
      %gather3A_801 = vector.shape_cast %reshape3A_800 : vector<16x1xi32> to vector<16xi32>
      %gather3A_802 = tpu.dynamic_gather %get3A_73[%gather3A_801] in [0] : vector<16xf32>, vector<16xi32> -> vector<16xf32>
      %parallel_loop3A_803 = arith.constant 0 : i32
      %parallel_loop3A_804 = arith.constant 512 : i32
      %parallel_loop3A_805 = arith.constant 1 : i32
      %parallel_loop3A_806:8 = scf.for %parallel_loop3A_1074 = %parallel_loop3A_803 to %parallel_loop3A_804 step %parallel_loop3A_805 iter_args(%parallel_loop3A_1075 = %broadcast_in_dim3A_51, %parallel_loop3A_1076 = %broadcast_in_dim3A_51, %parallel_loop3A_1077 = %broadcast_in_dim3A_51, %parallel_loop3A_1078 = %broadcast_in_dim3A_51, %parallel_loop3A_1079 = %broadcast_in_dim3A_51, %parallel_loop3A_1080 = %broadcast_in_dim3A_51, %parallel_loop3A_1081 = %broadcast_in_dim3A_51, %parallel_loop3A_1082 = %broadcast_in_dim3A_51) -> (vector<16xf32>, vector<16xf32>, vector<16xf32>, vector<16xf32>, vector<16xf32>, vector<16xf32>, vector<16xf32>, vector<16xf32>)  : i32 {
        %parallel_loop3A_1083 = arith.constant 16 : i32
        %parallel_loop3A_1084 = arith.muli %parallel_loop3A_1074, %parallel_loop3A_1083 : i32
        %parallel_loop3A_1085 = arith.index_cast %parallel_loop3A_1084 : i32 to index
        %parallel_loop3A_1086 = tpu.vector_load %arg7[%parallel_loop3A_1085] {strides = array<i32>} : memref<8192xf32, #tpu.memory_space<vmem>>, vector<16xf32>,
        %parallel_loop3A_1087 = vector.shape_cast %parallel_loop3A_1086 : vector<16xf32> to vector<16xf32>
        %parallel_loop3A_1088 = arith.index_cast %parallel_loop3A_1084 : i32 to index
        %parallel_loop3A_1089 = tpu.vector_load %arg8[%parallel_loop3A_1088] {strides = array<i32>} : memref<8192xf32, #tpu.memory_space<vmem>>, vector<16xf32>,
        %parallel_loop3A_1090 = vector.shape_cast %parallel_loop3A_1089 : vector<16xf32> to vector<16xf32>
        %parallel_loop3A_1091 = arith.index_cast %parallel_loop3A_1084 : i32 to index
        %parallel_loop3A_1092 = tpu.vector_load %arg9[%parallel_loop3A_1091] {strides = array<i32>} : memref<8192xf32, #tpu.memory_space<vmem>>, vector<16xf32>,
        %parallel_loop3A_1093 = vector.shape_cast %parallel_loop3A_1092 : vector<16xf32> to vector<16xf32>
        %parallel_loop3A_1094 = arith.index_cast %parallel_loop3A_1084 : i32 to index
        %parallel_loop3A_1095 = tpu.vector_load %arg10[%parallel_loop3A_1094] {strides = array<i32>} : memref<8192xf32, #tpu.memory_space<vmem>>, vector<16xf32>,
        %parallel_loop3A_1096 = vector.shape_cast %parallel_loop3A_1095 : vector<16xf32> to vector<16xf32>
        %parallel_loop3A_1097 = arith.mulf %parallel_loop3A_1087, %mul3A_578 : vector<16xf32>
        %parallel_loop3A_1098 = arith.addf %parallel_loop3A_1096, %parallel_loop3A_1097 : vector<16xf32>
        %parallel_loop3A_1099 = arith.mulf %parallel_loop3A_1090, %mul3A_586 : vector<16xf32>
        %parallel_loop3A_1100 = arith.addf %parallel_loop3A_1098, %parallel_loop3A_1099 : vector<16xf32>
        %parallel_loop3A_1101 = arith.mulf %parallel_loop3A_1093, %mul3A_594 : vector<16xf32>
        %parallel_loop3A_1102 = arith.addf %parallel_loop3A_1100, %parallel_loop3A_1101 : vector<16xf32>
        %parallel_loop3A_1103 = arith.minimumf %parallel_loop3A_1075, %parallel_loop3A_1102 : vector<16xf32>
        %parallel_loop3A_1104 = arith.mulf %parallel_loop3A_1087, %mul3A_607 : vector<16xf32>
        %parallel_loop3A_1105 = arith.addf %parallel_loop3A_1096, %parallel_loop3A_1104 : vector<16xf32>
        %parallel_loop3A_1106 = arith.mulf %parallel_loop3A_1090, %mul3A_615 : vector<16xf32>
        %parallel_loop3A_1107 = arith.addf %parallel_loop3A_1105, %parallel_loop3A_1106 : vector<16xf32>
        %parallel_loop3A_1108 = arith.mulf %parallel_loop3A_1093, %mul3A_623 : vector<16xf32>
        %parallel_loop3A_1109 = arith.addf %parallel_loop3A_1107, %parallel_loop3A_1108 : vector<16xf32>
        %parallel_loop3A_1110 = arith.minimumf %parallel_loop3A_1076, %parallel_loop3A_1109 : vector<16xf32>
        %parallel_loop3A_1111 = arith.mulf %parallel_loop3A_1087, %mul3A_636 : vector<16xf32>
        %parallel_loop3A_1112 = arith.addf %parallel_loop3A_1096, %parallel_loop3A_1111 : vector<16xf32>
        %parallel_loop3A_1113 = arith.mulf %parallel_loop3A_1090, %mul3A_644 : vector<16xf32>
        %parallel_loop3A_1114 = arith.addf %parallel_loop3A_1112, %parallel_loop3A_1113 : vector<16xf32>
        %parallel_loop3A_1115 = arith.mulf %parallel_loop3A_1093, %mul3A_652 : vector<16xf32>
        %parallel_loop3A_1116 = arith.addf %parallel_loop3A_1114, %parallel_loop3A_1115 : vector<16xf32>
        %parallel_loop3A_1117 = arith.minimumf %parallel_loop3A_1077, %parallel_loop3A_1116 : vector<16xf32>
        %parallel_loop3A_1118 = arith.mulf %parallel_loop3A_1087, %mul3A_665 : vector<16xf32>
        %parallel_loop3A_1119 = arith.addf %parallel_loop3A_1096, %parallel_loop3A_1118 : vector<16xf32>
        %parallel_loop3A_1120 = arith.mulf %parallel_loop3A_1090, %mul3A_673 : vector<16xf32>
        %parallel_loop3A_1121 = arith.addf %parallel_loop3A_1119, %parallel_loop3A_1120 : vector<16xf32>
        %parallel_loop3A_1122 = arith.mulf %parallel_loop3A_1093, %mul3A_681 : vector<16xf32>
        %parallel_loop3A_1123 = arith.addf %parallel_loop3A_1121, %parallel_loop3A_1122 : vector<16xf32>
        %parallel_loop3A_1124 = arith.minimumf %parallel_loop3A_1078, %parallel_loop3A_1123 : vector<16xf32>
        %parallel_loop3A_1125 = arith.mulf %parallel_loop3A_1087, %mul3A_694 : vector<16xf32>
        %parallel_loop3A_1126 = arith.addf %parallel_loop3A_1096, %parallel_loop3A_1125 : vector<16xf32>
        %parallel_loop3A_1127 = arith.mulf %parallel_loop3A_1090, %mul3A_702 : vector<16xf32>
        %parallel_loop3A_1128 = arith.addf %parallel_loop3A_1126, %parallel_loop3A_1127 : vector<16xf32>
        %parallel_loop3A_1129 = arith.mulf %parallel_loop3A_1093, %mul3A_710 : vector<16xf32>
        %parallel_loop3A_1130 = arith.addf %parallel_loop3A_1128, %parallel_loop3A_1129 : vector<16xf32>
        %parallel_loop3A_1131 = arith.minimumf %parallel_loop3A_1079, %parallel_loop3A_1130 : vector<16xf32>
        %parallel_loop3A_1132 = arith.mulf %parallel_loop3A_1087, %mul3A_723 : vector<16xf32>
        %parallel_loop3A_1133 = arith.addf %parallel_loop3A_1096, %parallel_loop3A_1132 : vector<16xf32>
        %parallel_loop3A_1134 = arith.mulf %parallel_loop3A_1090, %mul3A_731 : vector<16xf32>
        %parallel_loop3A_1135 = arith.addf %parallel_loop3A_1133, %parallel_loop3A_1134 : vector<16xf32>
        %parallel_loop3A_1136 = arith.mulf %parallel_loop3A_1093, %mul3A_739 : vector<16xf32>
        %parallel_loop3A_1137 = arith.addf %parallel_loop3A_1135, %parallel_loop3A_1136 : vector<16xf32>
        %parallel_loop3A_1138 = arith.minimumf %parallel_loop3A_1080, %parallel_loop3A_1137 : vector<16xf32>
        %parallel_loop3A_1139 = arith.mulf %parallel_loop3A_1087, %mul3A_752 : vector<16xf32>
        %parallel_loop3A_1140 = arith.addf %parallel_loop3A_1096, %parallel_loop3A_1139 : vector<16xf32>
        %parallel_loop3A_1141 = arith.mulf %parallel_loop3A_1090, %mul3A_760 : vector<16xf32>
        %parallel_loop3A_1142 = arith.addf %parallel_loop3A_1140, %parallel_loop3A_1141 : vector<16xf32>
        %parallel_loop3A_1143 = arith.mulf %parallel_loop3A_1093, %mul3A_768 : vector<16xf32>
        %parallel_loop3A_1144 = arith.addf %parallel_loop3A_1142, %parallel_loop3A_1143 : vector<16xf32>
        %parallel_loop3A_1145 = arith.minimumf %parallel_loop3A_1081, %parallel_loop3A_1144 : vector<16xf32>
        %parallel_loop3A_1146 = arith.mulf %parallel_loop3A_1087, %mul3A_781 : vector<16xf32>
        %parallel_loop3A_1147 = arith.addf %parallel_loop3A_1096, %parallel_loop3A_1146 : vector<16xf32>
        %parallel_loop3A_1148 = arith.mulf %parallel_loop3A_1090, %mul3A_789 : vector<16xf32>
        %parallel_loop3A_1149 = arith.addf %parallel_loop3A_1147, %parallel_loop3A_1148 : vector<16xf32>
        %parallel_loop3A_1150 = arith.mulf %parallel_loop3A_1093, %mul3A_797 : vector<16xf32>
        %parallel_loop3A_1151 = arith.addf %parallel_loop3A_1149, %parallel_loop3A_1150 : vector<16xf32>
        %parallel_loop3A_1152 = arith.minimumf %parallel_loop3A_1082, %parallel_loop3A_1151 : vector<16xf32>
        scf.yield %parallel_loop3A_1103, %parallel_loop3A_1110, %parallel_loop3A_1117, %parallel_loop3A_1124, %parallel_loop3A_1131, %parallel_loop3A_1138, %parallel_loop3A_1145, %parallel_loop3A_1152 : vector<16xf32>, vector<16xf32>, vector<16xf32>, vector<16xf32>, vector<16xf32>, vector<16xf32>, vector<16xf32>, vector<16xf32>
      } {sc.loop_unroll_factor = 4 : i64, sc.parallel_access}
      %add3A_807 = arith.addf %parallel_loop3A_806#0, %gather3A_599 : vector<16xf32>
      %xor3A_808 = arith.constant 1 : i32
      %xor3A_809 = vector.broadcast %xor3A_808 : i32 to vector<16xi32>
      %xor3A_810 = arith.xori %iota3A, %xor3A_809 : vector<16xi32>
      %reshape3A_811 = vector.shape_cast %xor3A_810 : vector<16xi32> to vector<16x1xi32>
      %gather3A_812 = vector.shape_cast %reshape3A_811 : vector<16x1xi32> to vector<16xi32>
      %gather3A_813 = tpu.dynamic_gather %add3A_807[%gather3A_812] in [0] : vector<16xf32>, vector<16xi32> -> vector<16xf32>
      %min3A_814 = arith.minimumf %add3A_807, %gather3A_813 : vector<16xf32>
      %xor3A_815 = arith.constant 2 : i32
      %xor3A_816 = vector.broadcast %xor3A_815 : i32 to vector<16xi32>
      %xor3A_817 = arith.xori %iota3A, %xor3A_816 : vector<16xi32>
      %reshape3A_818 = vector.shape_cast %xor3A_817 : vector<16xi32> to vector<16x1xi32>
      %gather3A_819 = vector.shape_cast %reshape3A_818 : vector<16x1xi32> to vector<16xi32>
      %gather3A_820 = tpu.dynamic_gather %min3A_814[%gather3A_819] in [0] : vector<16xf32>, vector<16xi32> -> vector<16xf32>
      %min3A_821 = arith.minimumf %min3A_814, %gather3A_820 : vector<16xf32>
      %xor3A_822 = arith.constant 4 : i32
      %xor3A_823 = vector.broadcast %xor3A_822 : i32 to vector<16xi32>
      %xor3A_824 = arith.xori %iota3A, %xor3A_823 : vector<16xi32>
      %reshape3A_825 = vector.shape_cast %xor3A_824 : vector<16xi32> to vector<16x1xi32>
      %gather3A_826 = vector.shape_cast %reshape3A_825 : vector<16x1xi32> to vector<16xi32>
      %gather3A_827 = tpu.dynamic_gather %min3A_821[%gather3A_826] in [0] : vector<16xf32>, vector<16xi32> -> vector<16xf32>
      %min3A_828 = arith.minimumf %min3A_821, %gather3A_827 : vector<16xf32>
      %xor3A_829 = arith.constant 8 : i32
      %xor3A_830 = vector.broadcast %xor3A_829 : i32 to vector<16xi32>
      %xor3A_831 = arith.xori %iota3A, %xor3A_830 : vector<16xi32>
      %reshape3A_832 = vector.shape_cast %xor3A_831 : vector<16xi32> to vector<16x1xi32>
      %gather3A_833 = vector.shape_cast %reshape3A_832 : vector<16x1xi32> to vector<16xi32>
      %gather3A_834 = tpu.dynamic_gather %min3A_828[%gather3A_833] in [0] : vector<16xf32>, vector<16xi32> -> vector<16xf32>
      %min3A_835 = arith.minimumf %min3A_828, %gather3A_834 : vector<16xf32>
      %eq3A_836 = arith.constant 8 : i32
      %eq3A_837 = vector.broadcast %eq3A_836 : i32 to vector<16xi32>
      %eq3A_838 = arith.cmpi eq, %iota3A, %eq3A_837 : vector<16xi32>
      %select_n3A_839 = arith.select %eq3A_838, %min3A_835, %select_n3A_570 : vector<16xi1>, vector<16xf32>
      %add3A_840 = arith.addf %parallel_loop3A_806#1, %gather3A_628 : vector<16xf32>
      %xor3A_841 = arith.constant 1 : i32
      %xor3A_842 = vector.broadcast %xor3A_841 : i32 to vector<16xi32>
      %xor3A_843 = arith.xori %iota3A, %xor3A_842 : vector<16xi32>
      %reshape3A_844 = vector.shape_cast %xor3A_843 : vector<16xi32> to vector<16x1xi32>
      %gather3A_845 = vector.shape_cast %reshape3A_844 : vector<16x1xi32> to vector<16xi32>
      %gather3A_846 = tpu.dynamic_gather %add3A_840[%gather3A_845] in [0] : vector<16xf32>, vector<16xi32> -> vector<16xf32>
      %min3A_847 = arith.minimumf %add3A_840, %gather3A_846 : vector<16xf32>
      %xor3A_848 = arith.constant 2 : i32
      %xor3A_849 = vector.broadcast %xor3A_848 : i32 to vector<16xi32>
      %xor3A_850 = arith.xori %iota3A, %xor3A_849 : vector<16xi32>
      %reshape3A_851 = vector.shape_cast %xor3A_850 : vector<16xi32> to vector<16x1xi32>
      %gather3A_852 = vector.shape_cast %reshape3A_851 : vector<16x1xi32> to vector<16xi32>
      %gather3A_853 = tpu.dynamic_gather %min3A_847[%gather3A_852] in [0] : vector<16xf32>, vector<16xi32> -> vector<16xf32>
      %min3A_854 = arith.minimumf %min3A_847, %gather3A_853 : vector<16xf32>
      %xor3A_855 = arith.constant 4 : i32
      %xor3A_856 = vector.broadcast %xor3A_855 : i32 to vector<16xi32>
      %xor3A_857 = arith.xori %iota3A, %xor3A_856 : vector<16xi32>
      %reshape3A_858 = vector.shape_cast %xor3A_857 : vector<16xi32> to vector<16x1xi32>
      %gather3A_859 = vector.shape_cast %reshape3A_858 : vector<16x1xi32> to vector<16xi32>
      %gather3A_860 = tpu.dynamic_gather %min3A_854[%gather3A_859] in [0] : vector<16xf32>, vector<16xi32> -> vector<16xf32>
      %min3A_861 = arith.minimumf %min3A_854, %gather3A_860 : vector<16xf32>
      %xor3A_862 = arith.constant 8 : i32
      %xor3A_863 = vector.broadcast %xor3A_862 : i32 to vector<16xi32>
      %xor3A_864 = arith.xori %iota3A, %xor3A_863 : vector<16xi32>
      %reshape3A_865 = vector.shape_cast %xor3A_864 : vector<16xi32> to vector<16x1xi32>
      %gather3A_866 = vector.shape_cast %reshape3A_865 : vector<16x1xi32> to vector<16xi32>
      %gather3A_867 = tpu.dynamic_gather %min3A_861[%gather3A_866] in [0] : vector<16xf32>, vector<16xi32> -> vector<16xf32>
      %min3A_868 = arith.minimumf %min3A_861, %gather3A_867 : vector<16xf32>
      %eq3A_869 = arith.constant 9 : i32
      %eq3A_870 = vector.broadcast %eq3A_869 : i32 to vector<16xi32>
      %eq3A_871 = arith.cmpi eq, %iota3A, %eq3A_870 : vector<16xi32>
      %select_n3A_872 = arith.select %eq3A_871, %min3A_868, %select_n3A_839 : vector<16xi1>, vector<16xf32>
      %add3A_873 = arith.addf %parallel_loop3A_806#2, %gather3A_657 : vector<16xf32>
      %xor3A_874 = arith.constant 1 : i32
      %xor3A_875 = vector.broadcast %xor3A_874 : i32 to vector<16xi32>
      %xor3A_876 = arith.xori %iota3A, %xor3A_875 : vector<16xi32>
      %reshape3A_877 = vector.shape_cast %xor3A_876 : vector<16xi32> to vector<16x1xi32>
      %gather3A_878 = vector.shape_cast %reshape3A_877 : vector<16x1xi32> to vector<16xi32>
      %gather3A_879 = tpu.dynamic_gather %add3A_873[%gather3A_878] in [0] : vector<16xf32>, vector<16xi32> -> vector<16xf32>
      %min3A_880 = arith.minimumf %add3A_873, %gather3A_879 : vector<16xf32>
      %xor3A_881 = arith.constant 2 : i32
      %xor3A_882 = vector.broadcast %xor3A_881 : i32 to vector<16xi32>
      %xor3A_883 = arith.xori %iota3A, %xor3A_882 : vector<16xi32>
      %reshape3A_884 = vector.shape_cast %xor3A_883 : vector<16xi32> to vector<16x1xi32>
      %gather3A_885 = vector.shape_cast %reshape3A_884 : vector<16x1xi32> to vector<16xi32>
      %gather3A_886 = tpu.dynamic_gather %min3A_880[%gather3A_885] in [0] : vector<16xf32>, vector<16xi32> -> vector<16xf32>
      %min3A_887 = arith.minimumf %min3A_880, %gather3A_886 : vector<16xf32>
      %xor3A_888 = arith.constant 4 : i32
      %xor3A_889 = vector.broadcast %xor3A_888 : i32 to vector<16xi32>
      %xor3A_890 = arith.xori %iota3A, %xor3A_889 : vector<16xi32>
      %reshape3A_891 = vector.shape_cast %xor3A_890 : vector<16xi32> to vector<16x1xi32>
      %gather3A_892 = vector.shape_cast %reshape3A_891 : vector<16x1xi32> to vector<16xi32>
      %gather3A_893 = tpu.dynamic_gather %min3A_887[%gather3A_892] in [0] : vector<16xf32>, vector<16xi32> -> vector<16xf32>
      %min3A_894 = arith.minimumf %min3A_887, %gather3A_893 : vector<16xf32>
      %xor3A_895 = arith.constant 8 : i32
      %xor3A_896 = vector.broadcast %xor3A_895 : i32 to vector<16xi32>
      %xor3A_897 = arith.xori %iota3A, %xor3A_896 : vector<16xi32>
      %reshape3A_898 = vector.shape_cast %xor3A_897 : vector<16xi32> to vector<16x1xi32>
      %gather3A_899 = vector.shape_cast %reshape3A_898 : vector<16x1xi32> to vector<16xi32>
      %gather3A_900 = tpu.dynamic_gather %min3A_894[%gather3A_899] in [0] : vector<16xf32>, vector<16xi32> -> vector<16xf32>
      %min3A_901 = arith.minimumf %min3A_894, %gather3A_900 : vector<16xf32>
      %eq3A_902 = arith.constant 10 : i32
      %eq3A_903 = vector.broadcast %eq3A_902 : i32 to vector<16xi32>
      %eq3A_904 = arith.cmpi eq, %iota3A, %eq3A_903 : vector<16xi32>
      %select_n3A_905 = arith.select %eq3A_904, %min3A_901, %select_n3A_872 : vector<16xi1>, vector<16xf32>
      %add3A_906 = arith.addf %parallel_loop3A_806#3, %gather3A_686 : vector<16xf32>
      %xor3A_907 = arith.constant 1 : i32
      %xor3A_908 = vector.broadcast %xor3A_907 : i32 to vector<16xi32>
      %xor3A_909 = arith.xori %iota3A, %xor3A_908 : vector<16xi32>
      %reshape3A_910 = vector.shape_cast %xor3A_909 : vector<16xi32> to vector<16x1xi32>
      %gather3A_911 = vector.shape_cast %reshape3A_910 : vector<16x1xi32> to vector<16xi32>
      %gather3A_912 = tpu.dynamic_gather %add3A_906[%gather3A_911] in [0] : vector<16xf32>, vector<16xi32> -> vector<16xf32>
      %min3A_913 = arith.minimumf %add3A_906, %gather3A_912 : vector<16xf32>
      %xor3A_914 = arith.constant 2 : i32
      %xor3A_915 = vector.broadcast %xor3A_914 : i32 to vector<16xi32>
      %xor3A_916 = arith.xori %iota3A, %xor3A_915 : vector<16xi32>
      %reshape3A_917 = vector.shape_cast %xor3A_916 : vector<16xi32> to vector<16x1xi32>
      %gather3A_918 = vector.shape_cast %reshape3A_917 : vector<16x1xi32> to vector<16xi32>
      %gather3A_919 = tpu.dynamic_gather %min3A_913[%gather3A_918] in [0] : vector<16xf32>, vector<16xi32> -> vector<16xf32>
      %min3A_920 = arith.minimumf %min3A_913, %gather3A_919 : vector<16xf32>
      %xor3A_921 = arith.constant 4 : i32
      %xor3A_922 = vector.broadcast %xor3A_921 : i32 to vector<16xi32>
      %xor3A_923 = arith.xori %iota3A, %xor3A_922 : vector<16xi32>
      %reshape3A_924 = vector.shape_cast %xor3A_923 : vector<16xi32> to vector<16x1xi32>
      %gather3A_925 = vector.shape_cast %reshape3A_924 : vector<16x1xi32> to vector<16xi32>
      %gather3A_926 = tpu.dynamic_gather %min3A_920[%gather3A_925] in [0] : vector<16xf32>, vector<16xi32> -> vector<16xf32>
      %min3A_927 = arith.minimumf %min3A_920, %gather3A_926 : vector<16xf32>
      %xor3A_928 = arith.constant 8 : i32
      %xor3A_929 = vector.broadcast %xor3A_928 : i32 to vector<16xi32>
      %xor3A_930 = arith.xori %iota3A, %xor3A_929 : vector<16xi32>
      %reshape3A_931 = vector.shape_cast %xor3A_930 : vector<16xi32> to vector<16x1xi32>
      %gather3A_932 = vector.shape_cast %reshape3A_931 : vector<16x1xi32> to vector<16xi32>
      %gather3A_933 = tpu.dynamic_gather %min3A_927[%gather3A_932] in [0] : vector<16xf32>, vector<16xi32> -> vector<16xf32>
      %min3A_934 = arith.minimumf %min3A_927, %gather3A_933 : vector<16xf32>
      %eq3A_935 = arith.constant 11 : i32
      %eq3A_936 = vector.broadcast %eq3A_935 : i32 to vector<16xi32>
      %eq3A_937 = arith.cmpi eq, %iota3A, %eq3A_936 : vector<16xi32>
      %select_n3A_938 = arith.select %eq3A_937, %min3A_934, %select_n3A_905 : vector<16xi1>, vector<16xf32>
      %add3A_939 = arith.addf %parallel_loop3A_806#4, %gather3A_715 : vector<16xf32>
      %xor3A_940 = arith.constant 1 : i32
      %xor3A_941 = vector.broadcast %xor3A_940 : i32 to vector<16xi32>
      %xor3A_942 = arith.xori %iota3A, %xor3A_941 : vector<16xi32>
      %reshape3A_943 = vector.shape_cast %xor3A_942 : vector<16xi32> to vector<16x1xi32>
      %gather3A_944 = vector.shape_cast %reshape3A_943 : vector<16x1xi32> to vector<16xi32>
      %gather3A_945 = tpu.dynamic_gather %add3A_939[%gather3A_944] in [0] : vector<16xf32>, vector<16xi32> -> vector<16xf32>
      %min3A_946 = arith.minimumf %add3A_939, %gather3A_945 : vector<16xf32>
      %xor3A_947 = arith.constant 2 : i32
      %xor3A_948 = vector.broadcast %xor3A_947 : i32 to vector<16xi32>
      %xor3A_949 = arith.xori %iota3A, %xor3A_948 : vector<16xi32>
      %reshape3A_950 = vector.shape_cast %xor3A_949 : vector<16xi32> to vector<16x1xi32>
      %gather3A_951 = vector.shape_cast %reshape3A_950 : vector<16x1xi32> to vector<16xi32>
      %gather3A_952 = tpu.dynamic_gather %min3A_946[%gather3A_951] in [0] : vector<16xf32>, vector<16xi32> -> vector<16xf32>
      %min3A_953 = arith.minimumf %min3A_946, %gather3A_952 : vector<16xf32>
      %xor3A_954 = arith.constant 4 : i32
      %xor3A_955 = vector.broadcast %xor3A_954 : i32 to vector<16xi32>
      %xor3A_956 = arith.xori %iota3A, %xor3A_955 : vector<16xi32>
      %reshape3A_957 = vector.shape_cast %xor3A_956 : vector<16xi32> to vector<16x1xi32>
      %gather3A_958 = vector.shape_cast %reshape3A_957 : vector<16x1xi32> to vector<16xi32>
      %gather3A_959 = tpu.dynamic_gather %min3A_953[%gather3A_958] in [0] : vector<16xf32>, vector<16xi32> -> vector<16xf32>
      %min3A_960 = arith.minimumf %min3A_953, %gather3A_959 : vector<16xf32>
      %xor3A_961 = arith.constant 8 : i32
      %xor3A_962 = vector.broadcast %xor3A_961 : i32 to vector<16xi32>
      %xor3A_963 = arith.xori %iota3A, %xor3A_962 : vector<16xi32>
      %reshape3A_964 = vector.shape_cast %xor3A_963 : vector<16xi32> to vector<16x1xi32>
      %gather3A_965 = vector.shape_cast %reshape3A_964 : vector<16x1xi32> to vector<16xi32>
      %gather3A_966 = tpu.dynamic_gather %min3A_960[%gather3A_965] in [0] : vector<16xf32>, vector<16xi32> -> vector<16xf32>
      %min3A_967 = arith.minimumf %min3A_960, %gather3A_966 : vector<16xf32>
      %eq3A_968 = arith.constant 12 : i32
      %eq3A_969 = vector.broadcast %eq3A_968 : i32 to vector<16xi32>
      %eq3A_970 = arith.cmpi eq, %iota3A, %eq3A_969 : vector<16xi32>
      %select_n3A_971 = arith.select %eq3A_970, %min3A_967, %select_n3A_938 : vector<16xi1>, vector<16xf32>
      %add3A_972 = arith.addf %parallel_loop3A_806#5, %gather3A_744 : vector<16xf32>
      %xor3A_973 = arith.constant 1 : i32
      %xor3A_974 = vector.broadcast %xor3A_973 : i32 to vector<16xi32>
      %xor3A_975 = arith.xori %iota3A, %xor3A_974 : vector<16xi32>
      %reshape3A_976 = vector.shape_cast %xor3A_975 : vector<16xi32> to vector<16x1xi32>
      %gather3A_977 = vector.shape_cast %reshape3A_976 : vector<16x1xi32> to vector<16xi32>
      %gather3A_978 = tpu.dynamic_gather %add3A_972[%gather3A_977] in [0] : vector<16xf32>, vector<16xi32> -> vector<16xf32>
      %min3A_979 = arith.minimumf %add3A_972, %gather3A_978 : vector<16xf32>
      %xor3A_980 = arith.constant 2 : i32
      %xor3A_981 = vector.broadcast %xor3A_980 : i32 to vector<16xi32>
      %xor3A_982 = arith.xori %iota3A, %xor3A_981 : vector<16xi32>
      %reshape3A_983 = vector.shape_cast %xor3A_982 : vector<16xi32> to vector<16x1xi32>
      %gather3A_984 = vector.shape_cast %reshape3A_983 : vector<16x1xi32> to vector<16xi32>
      %gather3A_985 = tpu.dynamic_gather %min3A_979[%gather3A_984] in [0] : vector<16xf32>, vector<16xi32> -> vector<16xf32>
      %min3A_986 = arith.minimumf %min3A_979, %gather3A_985 : vector<16xf32>
      %xor3A_987 = arith.constant 4 : i32
      %xor3A_988 = vector.broadcast %xor3A_987 : i32 to vector<16xi32>
      %xor3A_989 = arith.xori %iota3A, %xor3A_988 : vector<16xi32>
      %reshape3A_990 = vector.shape_cast %xor3A_989 : vector<16xi32> to vector<16x1xi32>
      %gather3A_991 = vector.shape_cast %reshape3A_990 : vector<16x1xi32> to vector<16xi32>
      %gather3A_992 = tpu.dynamic_gather %min3A_986[%gather3A_991] in [0] : vector<16xf32>, vector<16xi32> -> vector<16xf32>
      %min3A_993 = arith.minimumf %min3A_986, %gather3A_992 : vector<16xf32>
      %xor3A_994 = arith.constant 8 : i32
      %xor3A_995 = vector.broadcast %xor3A_994 : i32 to vector<16xi32>
      %xor3A_996 = arith.xori %iota3A, %xor3A_995 : vector<16xi32>
      %reshape3A_997 = vector.shape_cast %xor3A_996 : vector<16xi32> to vector<16x1xi32>
      %gather3A_998 = vector.shape_cast %reshape3A_997 : vector<16x1xi32> to vector<16xi32>
      %gather3A_999 = tpu.dynamic_gather %min3A_993[%gather3A_998] in [0] : vector<16xf32>, vector<16xi32> -> vector<16xf32>
      %min3A_1000 = arith.minimumf %min3A_993, %gather3A_999 : vector<16xf32>
      %eq3A_1001 = arith.constant 13 : i32
      %eq3A_1002 = vector.broadcast %eq3A_1001 : i32 to vector<16xi32>
      %eq3A_1003 = arith.cmpi eq, %iota3A, %eq3A_1002 : vector<16xi32>
      %select_n3A_1004 = arith.select %eq3A_1003, %min3A_1000, %select_n3A_971 : vector<16xi1>, vector<16xf32>
      %add3A_1005 = arith.addf %parallel_loop3A_806#6, %gather3A_773 : vector<16xf32>
      %xor3A_1006 = arith.constant 1 : i32
      %xor3A_1007 = vector.broadcast %xor3A_1006 : i32 to vector<16xi32>
      %xor3A_1008 = arith.xori %iota3A, %xor3A_1007 : vector<16xi32>
      %reshape3A_1009 = vector.shape_cast %xor3A_1008 : vector<16xi32> to vector<16x1xi32>
      %gather3A_1010 = vector.shape_cast %reshape3A_1009 : vector<16x1xi32> to vector<16xi32>
      %gather3A_1011 = tpu.dynamic_gather %add3A_1005[%gather3A_1010] in [0] : vector<16xf32>, vector<16xi32> -> vector<16xf32>
      %min3A_1012 = arith.minimumf %add3A_1005, %gather3A_1011 : vector<16xf32>
      %xor3A_1013 = arith.constant 2 : i32
      %xor3A_1014 = vector.broadcast %xor3A_1013 : i32 to vector<16xi32>
      %xor3A_1015 = arith.xori %iota3A, %xor3A_1014 : vector<16xi32>
      %reshape3A_1016 = vector.shape_cast %xor3A_1015 : vector<16xi32> to vector<16x1xi32>
      %gather3A_1017 = vector.shape_cast %reshape3A_1016 : vector<16x1xi32> to vector<16xi32>
      %gather3A_1018 = tpu.dynamic_gather %min3A_1012[%gather3A_1017] in [0] : vector<16xf32>, vector<16xi32> -> vector<16xf32>
      %min3A_1019 = arith.minimumf %min3A_1012, %gather3A_1018 : vector<16xf32>
      %xor3A_1020 = arith.constant 4 : i32
      %xor3A_1021 = vector.broadcast %xor3A_1020 : i32 to vector<16xi32>
      %xor3A_1022 = arith.xori %iota3A, %xor3A_1021 : vector<16xi32>
      %reshape3A_1023 = vector.shape_cast %xor3A_1022 : vector<16xi32> to vector<16x1xi32>
      %gather3A_1024 = vector.shape_cast %reshape3A_1023 : vector<16x1xi32> to vector<16xi32>
      %gather3A_1025 = tpu.dynamic_gather %min3A_1019[%gather3A_1024] in [0] : vector<16xf32>, vector<16xi32> -> vector<16xf32>
      %min3A_1026 = arith.minimumf %min3A_1019, %gather3A_1025 : vector<16xf32>
      %xor3A_1027 = arith.constant 8 : i32
      %xor3A_1028 = vector.broadcast %xor3A_1027 : i32 to vector<16xi32>
      %xor3A_1029 = arith.xori %iota3A, %xor3A_1028 : vector<16xi32>
      %reshape3A_1030 = vector.shape_cast %xor3A_1029 : vector<16xi32> to vector<16x1xi32>
      %gather3A_1031 = vector.shape_cast %reshape3A_1030 : vector<16x1xi32> to vector<16xi32>
      %gather3A_1032 = tpu.dynamic_gather %min3A_1026[%gather3A_1031] in [0] : vector<16xf32>, vector<16xi32> -> vector<16xf32>
      %min3A_1033 = arith.minimumf %min3A_1026, %gather3A_1032 : vector<16xf32>
      %eq3A_1034 = arith.constant 14 : i32
      %eq3A_1035 = vector.broadcast %eq3A_1034 : i32 to vector<16xi32>
      %eq3A_1036 = arith.cmpi eq, %iota3A, %eq3A_1035 : vector<16xi32>
      %select_n3A_1037 = arith.select %eq3A_1036, %min3A_1033, %select_n3A_1004 : vector<16xi1>, vector<16xf32>
      %add3A_1038 = arith.addf %parallel_loop3A_806#7, %gather3A_802 : vector<16xf32>
      %xor3A_1039 = arith.constant 1 : i32
      %xor3A_1040 = vector.broadcast %xor3A_1039 : i32 to vector<16xi32>
      %xor3A_1041 = arith.xori %iota3A, %xor3A_1040 : vector<16xi32>
      %reshape3A_1042 = vector.shape_cast %xor3A_1041 : vector<16xi32> to vector<16x1xi32>
      %gather3A_1043 = vector.shape_cast %reshape3A_1042 : vector<16x1xi32> to vector<16xi32>
      %gather3A_1044 = tpu.dynamic_gather %add3A_1038[%gather3A_1043] in [0] : vector<16xf32>, vector<16xi32> -> vector<16xf32>
      %min3A_1045 = arith.minimumf %add3A_1038, %gather3A_1044 : vector<16xf32>
      %xor3A_1046 = arith.constant 2 : i32
      %xor3A_1047 = vector.broadcast %xor3A_1046 : i32 to vector<16xi32>
      %xor3A_1048 = arith.xori %iota3A, %xor3A_1047 : vector<16xi32>
      %reshape3A_1049 = vector.shape_cast %xor3A_1048 : vector<16xi32> to vector<16x1xi32>
      %gather3A_1050 = vector.shape_cast %reshape3A_1049 : vector<16x1xi32> to vector<16xi32>
      %gather3A_1051 = tpu.dynamic_gather %min3A_1045[%gather3A_1050] in [0] : vector<16xf32>, vector<16xi32> -> vector<16xf32>
      %min3A_1052 = arith.minimumf %min3A_1045, %gather3A_1051 : vector<16xf32>
      %xor3A_1053 = arith.constant 4 : i32
      %xor3A_1054 = vector.broadcast %xor3A_1053 : i32 to vector<16xi32>
      %xor3A_1055 = arith.xori %iota3A, %xor3A_1054 : vector<16xi32>
      %reshape3A_1056 = vector.shape_cast %xor3A_1055 : vector<16xi32> to vector<16x1xi32>
      %gather3A_1057 = vector.shape_cast %reshape3A_1056 : vector<16x1xi32> to vector<16xi32>
      %gather3A_1058 = tpu.dynamic_gather %min3A_1052[%gather3A_1057] in [0] : vector<16xf32>, vector<16xi32> -> vector<16xf32>
      %min3A_1059 = arith.minimumf %min3A_1052, %gather3A_1058 : vector<16xf32>
      %xor3A_1060 = arith.constant 8 : i32
      %xor3A_1061 = vector.broadcast %xor3A_1060 : i32 to vector<16xi32>
      %xor3A_1062 = arith.xori %iota3A, %xor3A_1061 : vector<16xi32>
      %reshape3A_1063 = vector.shape_cast %xor3A_1062 : vector<16xi32> to vector<16x1xi32>
      %gather3A_1064 = vector.shape_cast %reshape3A_1063 : vector<16x1xi32> to vector<16xi32>
      %gather3A_1065 = tpu.dynamic_gather %min3A_1059[%gather3A_1064] in [0] : vector<16xf32>, vector<16xi32> -> vector<16xf32>
      %min3A_1066 = arith.minimumf %min3A_1059, %gather3A_1065 : vector<16xf32>
      %eq3A_1067 = arith.constant 15 : i32
      %eq3A_1068 = vector.broadcast %eq3A_1067 : i32 to vector<16xi32>
      %eq3A_1069 = arith.cmpi eq, %iota3A, %eq3A_1068 : vector<16xi32>
      %select_n3A_1070 = arith.select %eq3A_1069, %min3A_1066, %select_n3A_1037 : vector<16xi1>, vector<16xf32>
      %swap3A = arith.index_cast %mul3A_62 : i32 to index
      %swap3A_1071 = tpu.vector_load %arg15[%swap3A] {strides = array<i32>} : memref<96xf32, #tpu.memory_space<vmem>>, vector<16xf32>,
      %swap3A_1072 = vector.shape_cast %swap3A_1071 : vector<16xf32> to vector<16xf32>
      %swap3A_1073 = vector.shape_cast %select_n3A_1070 : vector<16xf32> to vector<16xf32>
      tpu.vector_store %arg15[%swap3A], %swap3A_1073 {strides = array<i32>} : memref<96xf32, #tpu.memory_space<vmem>>, vector<16xf32>,
    }
    %scan3A_56 = arith.constant 6 : i32
    %mul3A_57 = arith.constant 768 : i32
    %mul3A_58 = arith.muli %select_n3A, %mul3A_57 : i32
    %add3A_59 = arith.addi %mul3A_58, %mul3A_32 : i32
    "tpu.region"() ({
      %run_scoped3A = tpu.sem_alloc : memref<!tpu.dma_semaphore, #tpu.memory_space<semaphore_mem>>
      %dma_start3A = tpu.memref_slice %arg6[%add3A_59] : memref<3072xf32, #tpu.memory_space<hbm>> -> memref<96xf32, #tpu.memory_space<hbm>>
      %dma_start3A_60 = tpu.memref_slice %arg6[%add3A_59] : memref<3072xf32, #tpu.memory_space<hbm>> -> memref<96xf32, #tpu.memory_space<hbm>>
      tpu.enqueue_dma source(%arg15 : memref<96xf32, #tpu.memory_space<vmem>>) target(%dma_start3A_60 : memref<96xf32, #tpu.memory_space<hbm>>) target_semaphore(%run_scoped3A : memref<!tpu.dma_semaphore, #tpu.memory_space<semaphore_mem>>)
      %dma_wait3A = tpu.memref_slice %arg6[%add3A_59] : memref<3072xf32, #tpu.memory_space<hbm>> -> memref<96xf32, #tpu.memory_space<hbm>>
      %dma_wait3A_61 = tpu.memref_slice %arg6[%add3A_59] : memref<3072xf32, #tpu.memory_space<hbm>> -> memref<96xf32, #tpu.memory_space<hbm>>
      tpu.wait_dma2 semaphore(%run_scoped3A : memref<!tpu.dma_semaphore, #tpu.memory_space<semaphore_mem>>) src(%arg15 : memref<96xf32, #tpu.memory_space<vmem>>) dst(%dma_wait3A_61 : memref<96xf32, #tpu.memory_space<hbm>>)
      tpu.yield
    }) : () -> ()
    return
  }
}

module attributes {stable_mosaic.version = 14 : i64} {
  func.func @_tc_body(%arg0: i32, %arg1: i32, %arg2: memref<1x256x3xf32, #tpu.memory_space<vmem>>, %arg3: memref<1x1x256xf32, #tpu.memory_space<vmem>>, %arg4: memref<1x3x8192xf32, #tpu.memory_space<vmem>>, %arg5: memref<1x1x8192xf32, #tpu.memory_space<vmem>>, %arg6: memref<1x1x256xf32, #tpu.memory_space<vmem>>) attributes {dimension_semantics = [#tpu.dimension_semantics<arbitrary>, #tpu.dimension_semantics<arbitrary>], iteration_bounds = array<i64: 4, 13>, scalar_prefetch = 0 : i64, scratch_operands = 0 : i64, tpu.core_type = #tpu.core_type<tc>, window_params = [{transform_indices = @transform_0, window_bounds = array<i64: 1, 256, 3>}, {transform_indices = @transform_1, window_bounds = array<i64: 1, 1, 256>}, {transform_indices = @transform_2, window_bounds = array<i64: 1, 3, 8192>}, {transform_indices = @transform_3, window_bounds = array<i64: 1, 1, 8192>}, {transform_indices = @transform_4, window_bounds = array<i64: 1, 1, 256>}]} {
    %get3A = arith.constant 0 : index
    %get3A_0 = arith.constant 0 : index
    %get3A_1 = arith.constant 0 : index
    %get3A_2 = vector.load %arg2[%get3A, %get3A_0, %get3A_1] : memref<1x256x3xf32, #tpu.memory_space<vmem>>, vector<1x256x3xf32>
    %get3A_3 = vector.shape_cast %get3A_2 : vector<1x256x3xf32> to vector<256x3xf32>
    %get3A_4 = arith.constant 0 : index
    %get3A_5 = arith.constant 0 : index
    %get3A_6 = arith.constant 0 : index
    %get3A_7 = vector.load %arg4[%get3A_4, %get3A_5, %get3A_6] : memref<1x3x8192xf32, #tpu.memory_space<vmem>>, vector<1x3x8192xf32>
    %get3A_8 = vector.shape_cast %get3A_7 : vector<1x3x8192xf32> to vector<3x8192xf32>
    %dot_general3A = arith.constant dense<0.000000e+00> : vector<256x8192xf32>
    %dot_general3A_9 = tpu.matmul %get3A_3, %get3A_8, %dot_general3A {dimension_numbers = #tpu.dot_dimension_numbers<[1], [0], [0], [1], [0, 0, 1, 1], [], []>, transpose_lhs_hint = false} : vector<256x3xf32>, vector<3x8192xf32>, vector<256x8192xf32> -> vector<256x8192xf32>
    %get3A_10 = arith.constant 0 : index
    %get3A_11 = arith.constant 0 : index
    %get3A_12 = arith.constant 0 : index
    %get3A_13 = vector.load %arg5[%get3A_10, %get3A_11, %get3A_12] : memref<1x1x8192xf32, #tpu.memory_space<vmem>>, vector<1x1x8192xf32>
    %get3A_14 = vector.shape_cast %get3A_13 : vector<1x1x8192xf32> to vector<8192xf32>
    %broadcast_in_dim3A = vector.shape_cast %get3A_14 : vector<8192xf32> to vector<1x8192xf32>
    %add3A = vector.broadcast %broadcast_in_dim3A : vector<1x8192xf32> to vector<256x8192xf32>
    %add3A_15 = arith.addf %dot_general3A_9, %add3A : vector<256x8192xf32>
    %reduce_min3A = arith.constant dense<0x7F800000> : vector<256xf32>
    %reduce_min3A_16 = vector.multi_reduction <minimumf>, %add3A_15, %reduce_min3A [1] : vector<256x8192xf32> to vector<256xf32>
    %get3A_17 = arith.constant 0 : index
    %get3A_18 = arith.constant 0 : index
    %get3A_19 = arith.constant 0 : index
    %get3A_20 = vector.load %arg3[%get3A_17, %get3A_18, %get3A_19] : memref<1x1x256xf32, #tpu.memory_space<vmem>>, vector<1x1x256xf32>
    %get3A_21 = vector.shape_cast %get3A_20 : vector<1x1x256xf32> to vector<256xf32>
    %add3A_22 = arith.addf %reduce_min3A_16, %get3A_21 : vector<256xf32>
    %swap3A = arith.constant 0 : index
    %swap3A_23 = arith.constant 0 : index
    %swap3A_24 = arith.constant 0 : index
    %swap3A_25 = vector.load %arg6[%swap3A, %swap3A_23, %swap3A_24] : memref<1x1x256xf32, #tpu.memory_space<vmem>>, vector<1x1x256xf32>
    %swap3A_26 = vector.shape_cast %swap3A_25 : vector<1x1x256xf32> to vector<256xf32>
    %swap3A_27 = vector.shape_cast %add3A_22 : vector<256xf32> to vector<1x1x256xf32>
    tpu.vector_store %arg6[%swap3A, %swap3A_23, %swap3A_24], %swap3A_27 {strides = array<i32>} : memref<1x1x256xf32, #tpu.memory_space<vmem>>, vector<1x1x256xf32>,
    return
  }
  func.func @transform_0(%arg0: i32, %arg1: i32) -> (i32, i32, i32) {
    %c0_i32 = arith.constant 0 : i32
    %c0_i32_0 = arith.constant 0 : i32
    return %arg0, %arg1, %c0_i32 : i32, i32, i32
  }
  func.func @transform_1(%arg0: i32, %arg1: i32) -> (i32, i32, i32) {
    %c0_i32 = arith.constant 0 : i32
    %c0_i32_0 = arith.constant 0 : i32
    return %arg0, %c0_i32, %arg1 : i32, i32, i32
  }
  func.func @transform_2(%arg0: i32, %arg1: i32) -> (i32, i32, i32) {
    %c0_i32 = arith.constant 0 : i32
    %c0_i32_0 = arith.constant 0 : i32
    %c0_i32_1 = arith.constant 0 : i32
    return %arg0, %c0_i32, %c0_i32_0 : i32, i32, i32
  }
  func.func @transform_3(%arg0: i32, %arg1: i32) -> (i32, i32, i32) {
    %c0_i32 = arith.constant 0 : i32
    %c0_i32_0 = arith.constant 0 : i32
    %c0_i32_1 = arith.constant 0 : i32
    return %arg0, %c0_i32, %c0_i32_0 : i32, i32, i32
  }
  func.func @transform_4(%arg0: i32, %arg1: i32) -> (i32, i32, i32) {
    %c0_i32 = arith.constant 0 : i32
    %c0_i32_0 = arith.constant 0 : i32
    return %arg0, %c0_i32, %arg1 : i32, i32, i32
  }
}

</mosaic_0001>

<sc_bundles>
// kernel: _nn_sqdist.4.cloned.1.call-start
scs
__scs_entry_jumppad:
0x0: {  	(pc) =	sbr.rel $0x88, $3  }
0x1: {  	(tag) =	ssettag $0x0;
	lr =	simm.s32 $0x1  }
0x2: {  	[smem:$0x3F9F] =	sst lr;
	_ =	strace $0xD0000000  }
0x3: {  	_ = 	snop  }
0x4: {  	_ = 	snop  }
0x5: {  	_ = 	snop  }
0x6: {  	_ = 	snop  }
0x7: {  	_ = 	snop  }
__scs_overlays_trampoline_lowered:
0x8: {  	[smem:$0x3FAE] =	sst s0  }
0x9: {  	[smem:$0x3FAF] =	sst s1  }
0xa: {  	[smem:$0x3FB0] =	sst s2  }
0xb: {  	[smem:$0x3FB1] =	sst s3  }
0xc: {  	[smem:$0x3FB2] =	sst s4  }
0xd: {  	[smem:$0x3FB3] =	sst s5  }
0xe: {  	[smem:$0x3FB4] =	sst s6  }
0xf: {  	[smem:$0x3FB5] =	sst s7  }
0x10: {  	[smem:$0x3FB6] =	sst s8  }
0x11: {  	[smem:$0x3FB7] =	sst s9;
	s0 =	simm.s32 @!p0 $0x0  }
0x12: {  	s1 =	sld [smem:$0x3F9D];
	s0 =	simm.s32 @p0 $0x1  }
0x13: {  	[smem:$0x3FB8] =	sst s0;
	s0 =	simm.s32 @!p1 $0x0  }
0x14: {  	s2 =	sld [smem:$0x3F9C];
	s0 =	simm.s32 @p1 $0x1  }
0x15: {  	[smem:$0x3FB9] =	sst s0;
	s0 =	simm.s32 @!p2 $0x0  }
0x16: {  	s3 =	sld [smem:$0x3FDB];
	s0 =	simm.s32 @p2 $0x1  }
0x17: {  	s4 =	simm.s32 $0x1BF5;
	[smem:$0x3FBB] =	sst s0  }
0x18: {  	s0 =	sld [smem:$0x3F9E];
	_ =	swait.ge [sflag:s4], $0x0  }
0x19: {  	s7 =	sld [smem:$0x3F9F]  }
0x1a: {  	s8 =	sadd.s32 $0xFFFFE003, lr  }
0x1b: {  	s9 =	sadd.s32 $0xFFFFFEF7, lr;
	s5 =	simm.s32 $0xFFFFFFFF;
	p2 =	slt.u32 s8, $0xFFFFF086  }
0x1c: {  	p1 =	slt.u32 s9, $0xF7A;
	s5 =	simm.s32 @!p2 $0x0  }
0x1d: {  	s5 =	simm.s32 @p1 $0x1;
	p0 =	seq.s32 s7, s2  }
0x1e: {  	s7 =	smul.u32 @!p0 $0xF7A, s2;
	p2 =	seq.s32 @!p0 s5, $0x0  }
0x1f: {  	s9 =	smul.u32 $0xF7A, s1;
	s8 =	simm.s32 @!p0 $0x1BF5;
	p2 =	por !p2, p0  }
0x20: {  	[sflag:s8] =	ssyncset.s32 @!p0 $0xFFFFF086;
	s6 =	sadd.s32 @!p0 s3, s7;
	s7 =	simm.s32 @!p0 $0x108  }
0x21: {  	s3 =	sadd.s32 s3, s9;
	s6 =	sadd.s32 @!p0 $0x88, s6;
	s7 =	simm.s32 @p2 $0x1082  }
0x22: {  	[simem:s7], [sflag:s8] =	dma.local @!p0 [hbm:s6], $0xF7A  }
0x23: {  	s9 =	sor.u32 $0xD0000000, s2;
	s6 =	simm.s32 $0x108;
	_ =	swait.ge @!p0 [sflag:s8], $0x0  }
0x24: {  	s3 =	sadd.s32 $0x88, s3;
	s6 =	simm.s32 @!p1 $0x1082;
	[sflag:s4] =	ssyncset.s32 $0xFFFFF086  }
0x25: {  	[simem:s6], [sflag:s4] =	dma.local [hbm:s3], $0xF7A  }
0x26: {  	[smem:$0x3F9F] =	sst s1;
	(tag) =	ssettag s2;
	_ =	strace s9  }
0x27: {  	s1 =	sld [smem:$0x3FAF]  }
0x28: {  	s2 =	sld [smem:$0x3FB0]  }
0x29: {  	s4 =	sld [smem:$0x3FB2]  }
0x2a: {  	p0 =	seq.s32 s5, $0x0;
	s5 =	sld [smem:$0x3FB3]  }
0x2b: {  	s6 =	sld [smem:$0x3FB4]  }
0x2c: {  	s7 =	sld [smem:$0x3FB5]  }
0x2d: {  	s3 =	simm.s32 $0x108;
	s8 =	sld [smem:$0x3FB6]  }
0x2e: {  	s3 =	simm.s32 @!p0 $0x1082;
	s9 =	sld [smem:$0x3FB7]  }
0x2f: {  	lr =	sadd.s32 s0, s3;
	s0 =	sld [smem:$0x3FAE]  }
0x30: {  	s3 =	sld [smem:$0x3FB1]  }
0x31: {  	[smem:$0x3FBA] =	sst s10  }
0x32: {  	s10 =	sld [smem:$0x3FB8];
	_ =	sdelay $0x3  }
0x33: {  	p0 =	seq.s32 s10, $0x1;
	s10 =	sld [smem:$0x3FBA];
	_ =	sdelay $0x3  }
0x34: {  	[smem:$0x3FBA] =	sst s10  }
0x35: {  	s10 =	sld [smem:$0x3FB9];
	_ =	sdelay $0x3  }
0x36: {  	p1 =	seq.s32 s10, $0x1;
	s10 =	sld [smem:$0x3FBA];
	_ =	sdelay $0x3  }
0x37: {  	[smem:$0x3FBA] =	sst s10  }
0x38: {  	s10 =	sld [smem:$0x3FBB]  }
0x39: {  	_ = 	snop;
	(pc) =	sbr.ind lr, $3  }
0x3a: {  	_ = 	snop  }
0x3b: {  	_ = 	snop  }
0x3c: {  	p2 =	seq.s32 s10, $0x1;
	s10 =	sld [smem:$0x3FBA]  }
0x3d: {  	_ =	shalt  }
0x3e: {  	_ =	shalt  }
0x3f: {  	_ =	shalt  }
0x40: {  	_ =	shalt  }
0x41: {  	_ =	shalt  }
0x42: {  	_ =	shalt  }
0x43: {  	_ =	shalt  }
0x44: {  	_ =	shalt  }
0x45: {  	_ =	shalt  }
0x46: {  	_ =	shalt  }
0x47: {  	_ =	shalt  }
0x48: {  	_ =	shalt  }
0x49: {  	_ =	shalt  }
0x4a: {  	_ =	shalt  }
0x4b: {  	_ =	shalt  }
0x4c: {  	_ =	shalt  }
0x4d: {  	_ =	shalt  }
0x4e: {  	_ =	shalt  }
0x4f: {  	_ =	shalt  }
0x50: {  	_ =	shalt  }
0x51: {  	_ =	shalt  }
0x52: {  	_ =	shalt  }
0x53: {  	_ =	shalt  }
0x54: {  	_ =	shalt  }
0x55: {  	_ =	shalt  }
0x56: {  	_ =	shalt  }
0x57: {  	_ =	shalt  }
0x58: {  	_ =	shalt  }
0x59: {  	_ =	shalt  }
0x5a: {  	_ =	shalt  }
0x5b: {  	_ =	shalt  }
0x5c: {  	_ =	shalt  }
0x5d: {  	_ =	shalt  }
0x5e: {  	_ =	shalt  }
0x5f: {  	_ =	shalt  }
0x60: {  	_ =	shalt  }
0x61: {  	_ =	shalt  }
0x62: {  	_ =	shalt  }
0x63: {  	_ =	shalt  }
0x64: {  	_ =	shalt  }
0x65: {  	_ =	shalt  }
0x66: {  	_ =	shalt  }
0x67: {  	_ =	shalt  }
0x68: {  	_ =	shalt  }
0x69: {  	_ =	shalt  }
0x6a: {  	_ =	shalt  }
0x6b: {  	_ =	shalt  }
0x6c: {  	_ =	shalt  }
0x6d: {  	_ =	shalt  }
0x6e: {  	_ =	shalt  }
0x6f: {  	_ =	shalt  }
0x70: {  	_ =	shalt  }
0x71: {  	_ =	shalt  }
0x72: {  	_ =	shalt  }
0x73: {  	_ =	shalt  }
0x74: {  	_ =	shalt  }
0x75: {  	_ =	shalt  }
0x76: {  	_ =	shalt  }
0x77: {  	_ =	shalt  }
0x78: {  	_ =	shalt  }
0x79: {  	_ =	shalt  }
0x7a: {  	_ =	shalt  }
0x7b: {  	_ =	shalt  }
0x7c: {  	_ =	shalt  }
0x7d: {  	_ =	shalt  }
0x7e: {  	_ =	shalt  }
0x7f: {  	_ =	shalt  }
0x80: {  	_ =	shalt  }
0x81: {  	_ =	shalt  }
0x82: {  	_ =	shalt  }
0x83: {  	_ =	shalt  }
0x84: {  	_ =	shalt  }
0x85: {  	_ =	shalt  }
0x86: {  	_ =	shalt  }
0x87: {  	_ =	shalt  }
.Lfunc_end0:
.L_simem_size_0:
called_computation_lowered:
.L_overlay_start_0:
0x88: {  	s2 =	sld [smem:$0x3FD9]  }
0x89: {  	s3 =	sld [smem:$0x3FFE];
	_ =	sdelay $0x1  }
0x8a: {  	s1 =	srdreg.scid  }
0x8b: {  	s0 =	sand.u32 $0x1, s1  }
0x8c: {  	s17 =	sshll.u32 s0, $0xA;
	s2 =	sadd.s32 s3, s2  }
0x8d: {  	s2 =	sadd.s32 s2, s17  }
0x8e: {  	[smem:$0x3FC6] =	sst s2  }
0x8f: {  	_ = 	snop  }
0x90: {  	s2 =	sld [smem:$0x3FD0];
	(tm) =	ssettm $0x1  }
0x91: {  	s18 =	sld [smem:$0x3FFB];
	_ =	sdelay $0x3  }
0x92: {  	_ =	strace s18  }
0x93: {  	s3 =	sld [smem:$0x3FFC];
	_ =	sdelay $0x3  }
0x94: {  	_ =	strace s3  }
0x95: {  	s3 =	sld [smem:$0x3FFD];
	_ =	sdelay $0x3  }
0x96: {  	_ =	strace s3  }
0x97: {  	_ =	strace $0x8FFFFFFF  }
0x98: {  	s19 =	sld [smem:$0x3FDB];
	_ =	sdelay $0x1  }
0x99: {  	s4 =	simm.s32 $_scs_section_size  }
0x9a: {  	s5 =	simm.s32 $_size__tile_overlayer_lowered;
	s6 =	simm.s32 $_tile_overlayer_lowered  }
0x9b: {  	s22 =	simm.s32 $0x1BFF;
	s21 =	sshll.u32 s6, $0x1;
	s3 =	sadd.s32 s4, s19  }
0x9c: {  	s7 =	simm.s32 $0x0;
	s20 =	sshll.u32 s5, $0x1;
	s5 =	sadd.s32 s21, s3  }
0x9d: {  	[timem:s7], [sflag:s22] =	dma.local [hbm:s5], s20  }
0x9e: {  	_ =	swait.ge [sflag:s22], s20  }
0x9f: {  	s4 =	ssub.s32 $0x0, s20;
	[sflag:s22] =	ssyncset.done $0x0  }
0xa0: {  	[sflag:s22] =	ssyncadd.s32 s4;
	_ =	sdelay $0x1  }
0xa1: {  	s23 =	simm.s32 $0x1B8B  }
0xa2: {  	_ =	swait.ge [sflag:s23], $0x1  }
0xa3: {  	[sflag:s23] =	ssyncset.done $0x0  }
0xa4: {  	s25 =	simm.s32 $0x1B8E;
	s24 =	sld [smem:$0x3FFE];
	[sflag:s23] =	ssyncadd.s32 $0xFFFFFFFF  }
0xa5: {  	s26 =	simm.s32 $execute0_lowered;
	[smem:$0x3FD2] =	sst s25  }
0xa6: {  	s5 =	sshll.u32 s26, $0x1;
	_ =	strace $0x80000046;
	[dreg:$0x1] =	wrdreg $0xFFFFFFFF  }
0xa7: {  	s28 =	simm.s32 $_size_execute0_lowered;
	s3 =	sadd.s32 s3, s5;
	[dreg:$0x0] =	wrdreg $0x0  }
0xa8: {  	s5 =	sshll.u32 s28, $0x1;
	[dreg:$0x2] =	wrdreg s3  }
0xa9: {  	[dreg:$0x3] =	wrdreg s5  }
0xaa: {  	[dreg:$0x4] =	wrdreg $0xC0  }
0xab: {  	_ =	task [dreg:s7], $0x5FFFF  }
0xac: {  	[dreg:$0x1] =	wrdreg $0xFFFFFFFF  }
0xad: {  	[dreg:$0x0] =	wrdreg $0x60  }
0xae: {  	[dreg:$0x2] =	wrdreg s2  }
0xaf: {  	[dreg:$0x3] =	wrdreg s24  }
0xb0: {  	[dreg:$0x4] =	wrdreg $0x9  }
0xb1: {  	_ =	task.clear_ibuf [dreg:s7], $0x5FFFF;
	_ =	strace $0x90000046  }
0xb2: {  	s29 =	simm.s32 $0x9;
	_ =	strace $0x80000048  }
0xb3: {  	_ =	swait.ge [sflag:s29], $0x1  }
0xb4: {  	[sflag:s29] =	ssyncadd.s32 $0xFFFFFFFF  }
0xb5: {  	_ =	strace $0x90000048  }
0xb6: {  	_ =	sfence  }
0xb7: {  	s30 =	sld [smem:$0x0];
	_ =	sdelay $0x2  }
0xb8: {  	s31 =	sshll.u32 s1, $0xD;
	s1 =	sshrl.u32 s1, $0x2  }
0xb9: {  	s3 =	sand.u32 $0x4000, s31;
	s1 =	sadd.s32 s1, s30  }
0xba: {  	s0 =	sor.u32 s3, s0;
	s1 =	sshll.u32 s1, $0x11  }
0xbb: {  	s0 =	sor.u32 s1, s0  }
0xbc: {  	s0 =	sadd.s32 $0x8F2B, s0  }
0xbd: {  	[sflag:s0] =	ssyncadd.remote.s32 $0x1  }
0xbe: {  	_ =	sfence.sel $0xFFFF  }
0xbf: {  	[dreg:$0x0] =	wrdreg $0xFFFFFFFF;
	(pc) =	sbr.abs _section_cstart, $3  }
0xc0: {  	[dreg:$0x1] =	wrdreg $0xFFFFFFFF  }
0xc1: {  	_ =	task.clear_ibuf [dreg:s7], $0x2FFFF;
	_ =	strace $0x9FFFFFFF  }
0xc2: {  	(tm) =	ssettm $0x7FFFFFFF  }
0xc3: {  	_ =	shalt  }
tec
execute0_lowered:
.L_overlay_start_1:
0x0: {  	(tag) =	ssettag $0x1  }
0x1: {  	s0 =	stileid.u32  }
0x2: {  	s7 =	rddreg [dreg:$0x0];
	s1 =	srdreg.scid  }
0x3: {  	s3 =	rddreg [dreg:$0x1];
	s13 =	simm.s32 $0x1;
	s14 =	simm.s32 $0x2000  }
0x4: {  	v0 =	vimm.s32 $0xEFCDAB89;
	s15 =	simm.s32 $0x4000;
	s16 =	simm.s32 $0x6000;
	s17 =	simm.s32 $0x8000  }
0x5: {  	v1 =	vimm.s32 $0x67452301;
	s18 =	simm.s32 $0x8080;
	s19 =	simm.s32 $0x8100;
	s20 =	simm.s32 $0x8180  }
0x6: {  	v2 =	vimm.s32 $0xDCFE98BA;
	v3 =	vimm.s32 $0x54761032;
	s21 =	simm.s32 $0x8200;
	s22 =	simm.s32 $0x0;
	s6 =	sshrl.u32 s0, $0x2  }
0x7: {  	v4 =	vimm.s32 $0xBA98FEDC;
	v5 =	vimm.s32 $0x32107654;
	s2 =	sshll.u32 s0, $0x1;
	s4 =	sand.u32 $0x1, s1;
	s8 =	smul.u32 $0x300, s6  }
0x8: {  	v6 =	vimm.s32 $0xFEDCBA98;
	v7 =	vimm.s32 $0x76543210;
	s1 =	rddreg [dreg:$0x2];
	s2 =	sand.u32 $0x6, s2;
	s10 =	smul.u32 $0x6000, s6  }
0x9: {  	v0 =	vunpack.c.l.s4.s8 v0;
	v1 =	vunpack.c.l.s4.s8 v1;
	v2 =	vunpack.c.l.s4.s8 v2;
	s9 =	sshll.u32 s6, $0xA;
	s6 =	smul.u32 $0x900, s6;
	s5 =	sor.u32 s4, s2  }
0xa: {  	v3 =	vunpack.c.l.s4.s8 v3;
	v4 =	vunpack.c.l.s4.s8 v4;
	v5 =	vunpack.c.l.s4.s8 v5;
	s2 =	simm.s32 $0x0;
	s9 =	sadd.s32 s9, s3;
	s4 =	ssub.s32 $0x2, s4  }
0xb: {  	v6 =	vunpack.c.l.s4.s8 v6;
	v59 =	vunpack.c.l.s4.s8 v7;
	v0 =	vunpack.c.0.s8.s32 v0;
	s5 =	smul.u32 $0x60, s5;
	[smem:$0x7FF] =	sst s2;
	s30 =	sshrl.u32 s4, $0x1  }
0xc: {  	v1 =	vunpack.c.0.s8.s32 v1;
	v2 =	vunpack.c.0.s8.s32 v2;
	v3 =	vunpack.c.0.s8.s32 v3;
	s29 =	sshrl.u32 s10, $0x3;
	_ =	strace $0x80000047;
	s12 =	ssub.s32 s4, s30  }
0xd: {  	v4 =	vunpack.c.0.s8.s32 v4;
	v5 =	vunpack.c.0.s8.s32 v5;
	v61 =	vunpack.c.0.s8.s32 v6;
	s8 =	sadd.s32 s8, s5;
	s5 =	sadd.s32 s6, s5;
	s6 =	sadd.s32 $0x3000, s9  }
0xe: {  	v62 =	vunpack.c.0.s8.s32 v59;
	v0 =	vcombine.low v1, v0;
	s12 =	smax.u32 s12, $0x1;
	s8 =	sshrl.u32 s8, $0x3;
	s31 =	sshrl.u32 s5, $0x3  }
0xf: {  	v2 =	vcombine.low v3, v2;
	v60 =	vcombine.low v5, v4;
	v63 =	vand.u32 $0xF, v61;
	s11 =	sadd.s32 s8, s3;
	s3 =	sadd.s32 s3, s29;
	s7 =	sadd.s32 s7, s31  }
0x10: {  	v11 =	vcombine.low v63, v62;
	s4 =	sadd.s32 $0x400, s3;
	s5 =	sadd.s32 $0x800, s3;
	s8 =	sadd.s32 $0x60, s7  }
0x11: {  	v8 =	vand.u32 $0xF, v0;
	v9 =	vand.u32 $0xF, v2;
	v10 =	vand.u32 $0xF, v60;
	s9 =	sadd.s32 $0xC0, s7;
	s10 =	sadd.s32 $0x4000, s11;
	s11 =	sadd.s32 $0x4200, s11  }
.LBB2_1:
0x12: {  	[tilespmem:s2], [sflag:$0x1] =	stream.linear.gather [hbm4b:s3+s2], $0x2000, $0x38;
	[tilespmem:$0x8280] =	vst v63  }
0x13: {  	_ =	swait.ge [sflag:s13], $0x2000  }
0x14: {  	[sflag:s13] =	ssyncset.done $0x0  }
0x15: {  	[sflag:s13] =	ssyncadd.s32 $0xFFFFE000  }
0x16: {  	[tilespmem:s14], [sflag:$0x1] =	stream.linear.gather [hbm4b:s4+s2], $0x2000, $0x38;
	[tilespmem:$0x8280] =	vst v63  }
0x17: {  	_ =	swait.ge [sflag:s13], $0x2000  }
0x18: {  	[sflag:s13] =	ssyncset.done $0x0  }
0x19: {  	[sflag:s13] =	ssyncadd.s32 $0xFFFFE000  }
0x1a: {  	[tilespmem:s15], [sflag:$0x1] =	stream.linear.gather [hbm4b:s5+s2], $0x2000, $0x38;
	[tilespmem:$0x8280] =	vst v63  }
0x1b: {  	_ =	swait.ge [sflag:s13], $0x2000  }
0x1c: {  	[sflag:s13] =	ssyncset.done $0x0  }
0x1d: {  	[sflag:s13] =	ssyncadd.s32 $0xFFFFE000  }
0x1e: {  	[tilespmem:s16], [sflag:$0x1] =	stream.linear.gather [hbm4b:s6+s2], $0x2000, $0x38;
	[tilespmem:$0x8280] =	vst v63  }
0x1f: {  	_ =	swait.ge [sflag:s13], $0x2000  }
0x20: {  	[sflag:s13] =	ssyncset.done $0x0  }
0x21: {  	[sflag:s13] =	ssyncadd.s32 $0xFFFFE000  }
0x22: {  	[tilespmem:s17], [sflag:$0x1] =	stream.linear.gather [hbm4b:s7+s2], $0x60, $0x38;
	[tilespmem:$0x8280] =	vst v63  }
0x23: {  	_ =	swait.ge [sflag:s13], $0x60  }
0x24: {  	[sflag:s13] =	ssyncset.done $0x0  }
0x25: {  	[sflag:s13] =	ssyncadd.s32 $0xFFFFFFA0  }
0x26: {  	[tilespmem:s18], [sflag:$0x1] =	stream.linear.gather [hbm4b:s8+s2], $0x60, $0x38;
	[tilespmem:$0x8280] =	vst v63  }
0x27: {  	_ =	swait.ge [sflag:s13], $0x60  }
0x28: {  	[sflag:s13] =	ssyncset.done $0x0  }
0x29: {  	[sflag:s13] =	ssyncadd.s32 $0xFFFFFFA0  }
0x2a: {  	[tilespmem:s19], [sflag:$0x1] =	stream.linear.gather [hbm4b:s9+s2], $0x60, $0x38;
	[tilespmem:$0x8280] =	vst v63  }
0x2b: {  	_ =	swait.ge [sflag:s13], $0x60  }
0x2c: {  	[sflag:s13] =	ssyncset.done $0x0  }
0x2d: {  	[sflag:s13] =	ssyncadd.s32 $0xFFFFFFA0  }
0x2e: {  	[tilespmem:s20], [sflag:$0x1] =	stream.linear.gather [hbm4b:s10+s2], $0x60, $0x38;
	[tilespmem:$0x8280] =	vst v63  }
0x2f: {  	_ =	swait.ge [sflag:s13], $0x60  }
0x30: {  	[sflag:s13] =	ssyncset.done $0x0  }
0x31: {  	s23 =	simm.s32 $0x0;
	[sflag:s13] =	ssyncadd.s32 $0xFFFFFFA0  }
.LBB2_2:
0x32: {  	s24 =	sshll.u32 s23, $0x4  }
0x33: {  	v23 =	vld [tilespmem:s24+$0x8000]  }
0x34: {  	v22 =	vld [tilespmem:s24+$0x8080]  }
0x35: {  	v20 =	vld [tilespmem:s24+$0x8180];
	_ =	sdelay $0x2  }
0x36: {  	v3 =	vimm.s32 $0x0;
	v21 =	vld [tilespmem:s24+$0x8100]  }
0x37: {  	v4 =	vimm.s32 $0x1;
	v0 =	vperm.xlane v23, v3;
	v1 =	vperm.xlane v22, v3  }
0x38: {  	v13 =	vimm.s32 $0x7;
	v2 =	vperm.xlane v22, v4;
	v25 =	vperm.xlane v20, v3  }
0x39: {  	s25 =	simm.s32 $0x0;
	v12 =	vimm.s32 $0x6;
	v26 =	vperm.xlane v20, v4;
	v5 =	vperm.xlane v23, v13  }
0x3a: {  	v6 =	vld [tilespmem:s25+$0x2000];
	v31 =	vperm.xlane v20, v12;
	v30 =	vperm.xlane v20, v13  }
0x3b: {  	v41 =	vadd.f32 v0, v0;
	v0 =	vperm.xlane v21, v3;
	v36 =	vadd.f32 v1, v1  }
0x3c: {  	v1 =	vperm.xlane v23, v4;
	v38 =	vadd.f32 v2, v2;
	v3 =	vimm.s32 $0x2  }
0x3d: {  	v54 =	vadd.f32 v5, v5;
	v2 =	vperm.xlane v21, v3;
	v27 =	vperm.xlane v20, v3  }
0x3e: {  	v32 =	vadd.f32 v0, v0;
	v0 =	vperm.xlane v21, v4;
	v45 =	vadd.f32 v1, v1  }
0x3f: {  	v1 =	vperm.xlane v23, v3;
	v4 =	vimm.s32 $0x3;
	v18 =	vmul.f32 v6, v36  }
0x40: {  	v19 =	vmul.f32 v6, v38;
	v34 =	vadd.f32 v2, v2;
	v24 =	vperm.xlane v20, v4  }
0x41: {  	v33 =	vadd.f32 v0, v0;
	v0 =	vperm.xlane v22, v3;
	v3 =	vimm.s32 $0x4  }
0x42: {  	v47 =	vadd.f32 v1, v1;
	v1 =	vperm.xlane v23, v4;
	v2 =	vperm.xlane v22, v3  }
0x43: {  	v28 =	vperm.xlane v20, v3;
	v40 =	vadd.f32 v0, v0;
	v0 =	vperm.xlane v22, v4  }
0x44: {  	v49 =	vadd.f32 v1, v1;
	v1 =	vperm.xlane v21, v4;
	v4 =	vld [tilespmem:s25+$0x0];
	v44 =	vadd.f32 v2, v2  }
0x45: {  	v2 =	vimm.s32 $0x5;
	v42 =	vadd.f32 v0, v0;
	v0 =	vperm.xlane v23, v3  }
0x46: {  	v7 =	vld [tilespmem:s25+$0x6000];
	v35 =	vadd.f32 v1, v1;
	v1 =	vperm.xlane v21, v3;
	v3 =	vperm.xlane v21, v12  }
0x47: {  	v29 =	vperm.xlane v20, v2;
	v50 =	vadd.f32 v0, v0;
	v0 =	vperm.xlane v23, v2  }
0x48: {  	v37 =	vadd.f32 v1, v1;
	v1 =	vperm.xlane v22, v2;
	v43 =	vadd.f32 v3, v3  }
0x49: {  	v56 =	vmul.f32 v6, v42;
	v5 =	vmul.f32 v4, v54;
	v51 =	vadd.f32 v0, v0  }
0x4a: {  	v0 =	vperm.xlane v21, v2;
	v46 =	vadd.f32 v1, v1;
	v1 =	vperm.xlane v23, v12  }
0x4b: {  	v3 =	vld [tilespmem:s25+$0x4000];
	v14 =	vmul.f32 v4, v49;
	v2 =	vperm.xlane v22, v12;
	v5 =	vsub.f32 v7, v5  }
0x4c: {  	v12 =	vmul.f32 v4, v45;
	v39 =	vadd.f32 v0, v0;
	v0 =	vadd.f32 v1, v1  }
0x4d: {  	v48 =	vadd.f32 v2, v2;
	v1 =	vperm.xlane v22, v13;
	v2 =	vperm.xlane v21, v13  }
0x4e: {  	v14 =	vsub.f32 v7, v14;
	v13 =	vmul.f32 v4, v47;
	v17 =	vmul.f32 v4, v51  }
0x4f: {  	v12 =	vsub.f32 v7, v12;
	v57 =	vmul.f32 v6, v46;
	v53 =	vadd.f32 v1, v1  }
0x50: {  	v58 =	vmul.f32 v3, v35;
	v52 =	vadd.f32 v2, v2;
	v1 =	vmul.f32 v4, v41  }
0x51: {  	v13 =	vsub.f32 v7, v13;
	v17 =	vsub.f32 v7, v17;
	v15 =	vmul.f32 v6, v53  }
0x52: {  	v2 =	vimm.f32 $+Inf;
	v19 =	vsub.f32 v12, v19;
	v16 =	vsub.f32 v7, v1  }
0x53: {  	v1 =	vmul.f32 v4, v50;
	v5 =	vsub.f32 v5, v15;
	v15 =	vmul.f32 v3, v52  }
0x54: {  	v12 =	vmul.f32 v3, v32;
	v4 =	vmul.f32 v4, v0;
	v17 =	vsub.f32 v17, v57  }
0x55: {  	v55 =	vsub.f32 v7, v1;
	v5 =	vsub.f32 v5, v15;
	v15 =	vmul.f32 v6, v40  }
0x56: {  	v4 =	vsub.f32 v7, v4;
	v7 =	vmul.f32 v6, v44;
	v6 =	vmul.f32 v6, v48  }
0x57: {  	v1 =	vmin.f32 v2, v5;
	v5 =	vsub.f32 v16, v18;
	v16 =	vsub.f32 v13, v15  }
0x58: {  	v57 =	vmul.f32 v3, v34;
	v18 =	vsub.f32 v14, v56;
	v15 =	vsub.f32 v55, v7  }
0x59: {  	v56 =	vmul.f32 v3, v33;
	v14 =	vsub.f32 v4, v6;
	v6 =	vimm.f32 $+Inf  }
0x5a: {  	v7 =	vimm.f32 $+Inf;
	v4 =	vimm.f32 $+Inf;
	v13 =	vimm.f32 $+Inf  }
0x5b: {  	s26 =	simm.s32 $0x10;
	s25 =	simm.s32 $0x80;
	v55 =	vsub.f32 v5, v12;
	v12 =	vimm.f32 $+Inf;
	v5 =	vimm.f32 $+Inf  }
.LBB2_3:
0x5c: {  	p0 =	sne.s32 s25, $0x7FC0;
	v59 =	vld [tilespmem:s26+$0x0];
	v19 =	vsub.f32 v19, v56;
	v56 =	vmul.f32 v3, v37;
	v60 =	vmul.f32 v3, v39  }
0x5d: {  	v3 =	vmul.f32 v3, v43;
	v61 =	vld [tilespmem:s26+$0x2000];
	v16 =	vsub.f32 v16, v57;
	v18 =	vsub.f32 v18, v58  }
0x5e: {  	v2 =	vmin.f32 v2, v55;
	v57 =	vld [tilespmem:s26+$0x6000];
	v15 =	vsub.f32 v15, v56;
	v17 =	vsub.f32 v17, v60  }
0x5f: {  	v6 =	vmin.f32 v6, v19;
	v14 =	vsub.f32 v14, v3;
	v7 =	vmin.f32 v7, v16  }
0x60: {  	v4 =	vmin.f32 v4, v18;
	v3 =	vld [tilespmem:s26+$0x4000];
	v12 =	vmin.f32 v12, v15;
	v13 =	vmin.f32 v13, v17  }
0x61: {  	v5 =	vmin.f32 v5, v14;
	v15 =	vmul.f32 v59, v41;
	v16 =	vmul.f32 v59, v54  }
0x62: {  	v14 =	vmul.f32 v59, v45;
	v17 =	vmul.f32 v59, v47  }
0x63: {  	v18 =	vmul.f32 v59, v49;
	v19 =	vmul.f32 v61, v53;
	v16 =	vsub.f32 v57, v16  }
0x64: {  	v55 =	vmul.f32 v59, v50;
	v56 =	vmul.f32 v59, v51;
	v15 =	vsub.f32 v57, v15  }
0x65: {  	v58 =	vmul.f32 v59, v0;
	v16 =	vsub.f32 v16, v19;
	v19 =	vmul.f32 v3, v52  }
0x66: {  	v59 =	vmul.f32 v61, v36;
	v14 =	vsub.f32 v57, v14;
	v17 =	vsub.f32 v57, v17  }
0x67: {  	v60 =	vmul.f32 v61, v38;
	v18 =	vsub.f32 v57, v18;
	v16 =	vsub.f32 v16, v19  }
0x68: {  	v62 =	vmul.f32 v61, v40;
	v55 =	vsub.f32 v57, v55;
	v63 =	vsub.f32 v57, v56  }
0x69: {  	v56 =	vmul.f32 v61, v42;
	v57 =	vsub.f32 v57, v58;
	v1 =	vmin.f32 v1, v16  }
.Ltmp0:
0x6a: {  	v58 =	vsub.f32 v15, v59;
	v15 =	vmul.f32 v61, v44;
	v59 =	vmul.f32 v61, v46;
	(pc) =	sbr.rel @p0 .LBB2_3-.Ltmp0, $4  }
0x6b: {  	v19 =	vsub.f32 v14, v60;
	v14 =	vmul.f32 v61, v48;
	v16 =	vsub.f32 v17, v62  }
0x6c: {  	v18 =	vsub.f32 v18, v56;
	v60 =	vmul.f32 v3, v32;
	v15 =	vsub.f32 v55, v15  }
0x6d: {  	v56 =	vmul.f32 v3, v33;
	v17 =	vsub.f32 v63, v59;
	v14 =	vsub.f32 v57, v14  }
0x6e: {  	s26 =	sshra.s32 s25, $0x2;
	s25 =	sadd.s32 $0x40, s25;
	v55 =	vsub.f32 v58, v60;
	v57 =	vmul.f32 v3, v34;
	v58 =	vmul.f32 v3, v35  }
0x6f: {  	v59 =	vld [tilespmem:s26+$0x0]  }
0x70: {  	v19 =	vsub.f32 v19, v56;
	v56 =	vmul.f32 v3, v37  }
0x71: {  	v60 =	vmul.f32 v3, v39;
	v3 =	vmul.f32 v3, v43;
	v16 =	vsub.f32 v16, v57  }
0x72: {  	v61 =	vld [tilespmem:s26+$0x2000];
	v18 =	vsub.f32 v18, v58;
	v15 =	vsub.f32 v15, v56  }
0x73: {  	v17 =	vsub.f32 v17, v60;
	v3 =	vsub.f32 v14, v3;
	v7 =	vmin.f32 v7, v16  }
0x74: {  	v63 =	vld [tilespmem:s26+$0x6000];
	v4 =	vmin.f32 v4, v18;
	v12 =	vmin.f32 v12, v15;
	v15 =	vmul.f32 v59, v41  }
0x75: {  	v3 =	vmin.f32 v5, v3;
	v16 =	vmul.f32 v59, v54;
	v5 =	vmul.f32 v59, v45  }
0x76: {  	v14 =	vld [tilespmem:s26+$0x4000];
	v13 =	vmin.f32 v13, v17;
	v17 =	vmul.f32 v59, v47;
	v18 =	vmul.f32 v59, v49  }
0x77: {  	v6 =	vmin.f32 v6, v19;
	v19 =	vmul.f32 v61, v53;
	v56 =	vmul.f32 v59, v50  }
0x78: {  	v2 =	vmin.f32 v2, v55;
	v58 =	vmul.f32 v59, v51;
	v0 =	vmul.f32 v59, v0  }
0x79: {  	v36 =	vmul.f32 v61, v36;
	v16 =	vsub.f32 v63, v16;
	v15 =	vsub.f32 v63, v15  }
0x7a: {  	v38 =	vmul.f32 v61, v38;
	v5 =	vsub.f32 v63, v5;
	v17 =	vsub.f32 v63, v17  }
0x7b: {  	v18 =	vsub.f32 v63, v18;
	v16 =	vsub.f32 v16, v19;
	v19 =	vmul.f32 v14, v52  }
0x7c: {  	v42 =	vmul.f32 v61, v42;
	v59 =	vsub.f32 v63, v56;
	v60 =	vsub.f32 v63, v58  }
0x7d: {  	v0 =	vsub.f32 v63, v0;
	v16 =	vsub.f32 v16, v19;
	v19 =	vmul.f32 v61, v40  }
0x7e: {  	v32 =	vmul.f32 v14, v32;
	v63 =	vmul.f32 v61, v48;
	v15 =	vsub.f32 v15, v36  }
0x7f: {  	v5 =	vsub.f32 v5, v38;
	v17 =	vsub.f32 v17, v19;
	v19 =	vmul.f32 v14, v33  }
0x80: {  	v34 =	vmul.f32 v14, v34;
	v18 =	vsub.f32 v18, v42;
	v15 =	vsub.f32 v15, v32  }
0x81: {  	v1 =	vmin.f32 v1, v16;
	v16 =	vmul.f32 v61, v44;
	v5 =	vsub.f32 v5, v19  }
0x82: {  	v0 =	vsub.f32 v0, v63;
	v2 =	vmin.f32 v2, v15;
	v15 =	vmul.f32 v14, v35  }
0x83: {  	v2 =	vadd.f32 v2, v25;
	v16 =	vsub.f32 v59, v16;
	v5 =	vmin.f32 v6, v5  }
0x84: {  	v19 =	vmul.f32 v14, v37;
	v17 =	vsub.f32 v17, v34;
	v5 =	vadd.f32 v5, v26  }
0x85: {  	v15 =	vsub.f32 v18, v15;
	v25 =	vperm.xlane v2, v8;
	v6 =	vmul.f32 v14, v39  }
0x86: {  	v14 =	vmul.f32 v14, v43;
	v7 =	vmin.f32 v7, v17;
	v17 =	vperm.xlane v5, v8  }
0x87: {  	v16 =	vsub.f32 v16, v19;
	v2 =	vmin.f32 v2, v25;
	v7 =	vadd.f32 v7, v27  }
0x88: {  	v4 =	vmin.f32 v4, v15;
	v18 =	vperm.xlane v2, v9;
	v5 =	vmin.f32 v5, v17  }
0x89: {  	v0 =	vsub.f32 v0, v14;
	v14 =	vperm.xlane v7, v8;
	v15 =	vperm.xlane v5, v9  }
0x8a: {  	v62 =	vmul.f32 v61, v46;
	v12 =	vmin.f32 v12, v16;
	v2 =	vmin.f32 v2, v18  }
0x8b: {  	v16 =	vperm.xlane v2, v10;
	v7 =	vmin.f32 v7, v14;
	v5 =	vmin.f32 v5, v15  }
0x8c: {  	v0 =	vmin.f32 v3, v0;
	v14 =	vperm.xlane v7, v9;
	v3 =	vperm.xlane v5, v10  }
0x8d: {  	v38 =	vsub.f32 v60, v62;
	v4 =	vadd.f32 v4, v24  }
0x8e: {  	v24 =	vmin.f32 v2, v16;
	v2 =	vmin.f32 v7, v14;
	v26 =	vmin.f32 v5, v3  }
0x8f: {  	v6 =	vsub.f32 v38, v6;
	v3 =	vperm.xlane v2, v10;
	v5 =	vperm.xlane v26, v11  }
0x90: {  	v7 =	vperm.xlane v4, v8  }
0x91: {  	v6 =	vmin.f32 v13, v6;
	[tilespmem:$0x1FF50] =	vst v5;
	v5 =	vadd.f32 v12, v28;
	v28 =	vmin.f32 v2, v3  }
0x92: {  	v4 =	vmin.f32 v4, v7;
	v3 =	vadd.f32 v6, v29;
	v6 =	vperm.xlane v28, v11  }
0x93: {  	v2 =	vperm.xlane v4, v9  }
0x94: {  	[tilespmem:$0x1FF60] =	vst v6;
	v6 =	vperm.xlane v5, v8  }
0x95: {  	v0 =	vadd.f32 v0, v31;
	v2 =	vmin.f32 v4, v2;
	v4 =	vperm.xlane v3, v8  }
0x96: {  	v1 =	vadd.f32 v1, v30;
	v7 =	vperm.xlane v2, v10;
	v5 =	vmin.f32 v5, v6  }
0x97: {  	v3 =	vmin.f32 v3, v4;
	v6 =	vperm.xlane v0, v8;
	v12 =	vperm.xlane v5, v9  }
0x98: {  	v4 =	vperm.xlane v1, v8;
	v31 =	vmin.f32 v2, v7;
	v2 =	vperm.xlane v3, v9  }
0x99: {  	v7 =	vperm.xlane v31, v11;
	v0 =	vmin.f32 v0, v6;
	v5 =	vmin.f32 v5, v12  }
0x9a: {  	v1 =	vmin.f32 v1, v4;
	v6 =	vperm.xlane v0, v9;
	v4 =	vperm.xlane v5, v10  }
0x9b: {  	v2 =	vmin.f32 v3, v2;
	v3 =	vperm.xlane v1, v9  }
0x9c: {  	[tilespmem:$0x1FF70] =	vst v7;
	v7 =	vperm.xlane v2, v10;
	v0 =	vmin.f32 v0, v6;
	v37 =	vmin.f32 v5, v4  }
0x9d: {  	v1 =	vmin.f32 v1, v3;
	v4 =	vperm.xlane v0, v10;
	v3 =	vperm.xlane v37, v11  }
0x9e: {  	v13 =	vperm.xlane v24, v11;
	v36 =	vmin.f32 v2, v7;
	v2 =	vperm.xlane v1, v10  }
0x9f: {  	v33 =	vmin.f32 v0, v4;
	[tilespmem:$0x1FF80] =	vst v3;
	v3 =	vperm.xlane v36, v11  }
0xa0: {  	[tilespmem:$0x1FF40] =	vst v13;
	v30 =	vmin.f32 v1, v2;
	v4 =	vperm.xlane v33, v11  }
0xa1: {  	v13 =	vimm.s32 $0xF;
	v2 =	vperm.xlane v30, v11;
	[tilespmem:$0x1FF90] =	vst v3;
	v3 =	vimm.s32 $0x8  }
0xa2: {  	v5 =	vperm.xlane v23, v13;
	[tilespmem:$0x1FFA0] =	vst v4;
	v4 =	vimm.s32 $0x9;
	v0 =	vperm.xlane v23, v3  }
0xa3: {  	s25 =	simm.s32 $0x0;
	v6 =	vimm.s32 $0xE;
	[tilespmem:$0x1FFB0] =	vst v2;
	v1 =	vperm.xlane v22, v3;
	v2 =	vperm.xlane v22, v4  }
0xa4: {  	v7 =	vld [tilespmem:s25+$0x2000];
	v45 =	vperm.xlane v20, v3;
	v43 =	vperm.xlane v20, v4;
	v54 =	vadd.f32 v0, v0  }
0xa5: {  	v0 =	vperm.xlane v21, v3;
	v49 =	vadd.f32 v1, v1;
	v3 =	vimm.s32 $0xA  }
0xa6: {  	v1 =	vperm.xlane v23, v4;
	v50 =	vadd.f32 v2, v2;
	v2 =	vperm.xlane v21, v3  }
0xa7: {  	v44 =	vperm.xlane v20, v3;
	v46 =	vadd.f32 v0, v0;
	v0 =	vperm.xlane v21, v4  }
0xa8: {  	v57 =	vadd.f32 v1, v1;
	v1 =	vperm.xlane v23, v3;
	v4 =	vimm.s32 $0xB  }
0xa9: {  	v27 =	vmul.f32 v7, v49;
	v47 =	vadd.f32 v0, v0;
	v0 =	vperm.xlane v22, v3  }
0xaa: {  	v48 =	vadd.f32 v2, v2;
	v59 =	vadd.f32 v1, v1;
	v1 =	vperm.xlane v23, v4  }
0xab: {  	v42 =	vperm.xlane v20, v4;
	v53 =	vadd.f32 v0, v0;
	v0 =	vperm.xlane v22, v4  }
0xac: {  	v3 =	vimm.s32 $0xC;
	v61 =	vadd.f32 v1, v1;
	v1 =	vperm.xlane v21, v4  }
0xad: {  	v2 =	vperm.xlane v22, v3;
	v4 =	vld [tilespmem:s25+$0x0];
	v55 =	vadd.f32 v0, v0;
	v0 =	vperm.xlane v23, v3  }
0xae: {  	v29 =	vmul.f32 v7, v50;
	v51 =	vadd.f32 v1, v1;
	v1 =	vperm.xlane v21, v3  }
0xaf: {  	v12 =	vld [tilespmem:s25+$0x6000];
	v58 =	vadd.f32 v2, v2;
	v2 =	vimm.s32 $0xD;
	v62 =	vadd.f32 v0, v0  }
0xb0: {  	v0 =	vperm.xlane v23, v2;
	v52 =	vadd.f32 v1, v1;
	v1 =	vperm.xlane v20, v3  }
0xb1: {  	v3 =	vperm.xlane v21, v6;
	v40 =	vmul.f32 v7, v55  }
0xb2: {  	v15 =	vmul.f32 v4, v57;
	[tilespmem:$0x1FFC0] =	vst v1;
	v1 =	vperm.xlane v22, v2  }
0xb3: {  	v63 =	vadd.f32 v0, v0;
	v0 =	vperm.xlane v21, v2;
	v2 =	vperm.xlane v20, v2  }
0xb4: {  	v16 =	vmul.f32 v4, v59;
	v17 =	vmul.f32 v4, v61;
	v15 =	vsub.f32 v12, v15  }
0xb5: {  	[tilespmem:$0x1FFD0] =	vst v2;
	v60 =	vadd.f32 v1, v1;
	v1 =	vperm.xlane v23, v6;
	v2 =	vperm.xlane v22, v6  }
0xb6: {  	v19 =	vmul.f32 v4, v62;
	v16 =	vsub.f32 v12, v16;
	v56 =	vadd.f32 v0, v0  }
0xb7: {  	v0 =	vadd.f32 v1, v1;
	v23 =	vadd.f32 v2, v2;
	v1 =	vperm.xlane v22, v13  }
0xb8: {  	v22 =	vadd.f32 v3, v3;
	v3 =	vadd.f32 v5, v5;
	v2 =	vperm.xlane v20, v6  }
0xb9: {  	v17 =	vsub.f32 v12, v17;
	v25 =	vmul.f32 v4, v63;
	v5 =	vperm.xlane v21, v13;
	v6 =	vld [tilespmem:s25+$0x4000]  }
0xba: {  	[tilespmem:$0x1FFE0] =	vst v2;
	v2 =	vadd.f32 v1, v1;
	v1 =	vperm.xlane v20, v13;
	v14 =	vmul.f32 v4, v3  }
0xbb: {  	v19 =	vsub.f32 v12, v19;
	v29 =	vsub.f32 v15, v29;
	v41 =	vmul.f32 v7, v60  }
0xbc: {  	[tilespmem:$0x1FFF0] =	vst v1;
	v1 =	vadd.f32 v5, v5;
	v14 =	vsub.f32 v12, v14;
	v18 =	vmul.f32 v7, v2  }
0xbd: {  	v39 =	vsub.f32 v12, v25;
	v13 =	vmul.f32 v4, v54;
	v4 =	vmul.f32 v4, v0  }
0xbe: {  	v5 =	vimm.f32 $+Inf;
	v14 =	vsub.f32 v14, v18;
	v18 =	vmul.f32 v6, v1  }
0xbf: {  	v13 =	vsub.f32 v12, v13;
	v12 =	vsub.f32 v12, v4;
	v15 =	vmul.f32 v6, v46  }
0xc0: {  	v34 =	vmul.f32 v6, v47;
	v38 =	vmul.f32 v6, v48;
	v14 =	vsub.f32 v14, v18  }
0xc1: {  	v35 =	vmul.f32 v6, v51;
	v13 =	vsub.f32 v13, v27;
	v27 =	vsub.f32 v17, v40  }
0xc2: {  	v18 =	vmul.f32 v7, v53;
	v4 =	vmin.f32 v5, v14;
	v14 =	vmul.f32 v7, v58  }
0xc3: {  	v32 =	vsub.f32 v13, v15;
	v15 =	vimm.f32 $+Inf;
	v7 =	vmul.f32 v7, v23  }
0xc4: {  	v13 =	vimm.f32 $+Inf;
	v25 =	vsub.f32 v16, v18;
	v18 =	vsub.f32 v19, v14  }
0xc5: {  	v16 =	vimm.f32 $+Inf;
	v19 =	vsub.f32 v39, v41;
	v17 =	vsub.f32 v12, v7  }
0xc6: {  	s26 =	simm.s32 $0x10;
	s25 =	simm.s32 $0x80;
	v14 =	vimm.f32 $+Inf;
	v12 =	vimm.f32 $+Inf;
	v7 =	vimm.f32 $+Inf  }
.LBB2_5:
0xc7: {  	p0 =	sne.s32 s25, $0x7FC0;
	v39 =	vld [tilespmem:s26+$0x0];
	v29 =	vsub.f32 v29, v34;
	v34 =	vmul.f32 v6, v52;
	v40 =	vmul.f32 v6, v56  }
0xc8: {  	v6 =	vmul.f32 v6, v22;
	v41 =	vld [tilespmem:s26+$0x2000];
	v25 =	vsub.f32 v25, v38;
	v27 =	vsub.f32 v27, v35  }
0xc9: {  	v5 =	vmin.f32 v5, v32;
	v35 =	vld [tilespmem:s26+$0x6000];
	v18 =	vsub.f32 v18, v34;
	v19 =	vsub.f32 v19, v40  }
0xca: {  	v16 =	vmin.f32 v16, v29;
	v17 =	vsub.f32 v17, v6;
	v14 =	vmin.f32 v14, v25  }
0xcb: {  	v12 =	vmin.f32 v12, v27;
	v6 =	vld [tilespmem:s26+$0x4000];
	v15 =	vmin.f32 v15, v18;
	v13 =	vmin.f32 v13, v19  }
0xcc: {  	v7 =	vmin.f32 v7, v17;
	v18 =	vmul.f32 v39, v54;
	v19 =	vmul.f32 v39, v3  }
0xcd: {  	v17 =	vmul.f32 v39, v57;
	v25 =	vmul.f32 v39, v59  }
0xce: {  	v27 =	vmul.f32 v39, v61;
	v29 =	vmul.f32 v41, v2;
	v19 =	vsub.f32 v35, v19  }
0xcf: {  	v32 =	vmul.f32 v39, v62;
	v34 =	vmul.f32 v39, v63;
	v18 =	vsub.f32 v35, v18  }
0xd0: {  	v38 =	vmul.f32 v39, v0;
	v19 =	vsub.f32 v19, v29;
	v29 =	vmul.f32 v6, v1  }
0xd1: {  	v39 =	vmul.f32 v41, v49;
	v17 =	vsub.f32 v35, v17;
	v25 =	vsub.f32 v35, v25  }
0xd2: {  	v40 =	vmul.f32 v41, v50;
	v27 =	vsub.f32 v35, v27;
	v19 =	vsub.f32 v19, v29  }
0xd3: {  	v20 =	vmul.f32 v41, v53;
	v32 =	vsub.f32 v35, v32;
	v21 =	vsub.f32 v35, v34  }
0xd4: {  	v34 =	vmul.f32 v41, v55;
	v35 =	vsub.f32 v35, v38;
	v4 =	vmin.f32 v4, v19  }
.Ltmp1:
0xd5: {  	v38 =	vsub.f32 v18, v39;
	v18 =	vmul.f32 v41, v58;
	v19 =	vmul.f32 v41, v60;
	(pc) =	sbr.rel @p0 .LBB2_5-.Ltmp1, $4  }
0xd6: {  	v25 =	vsub.f32 v25, v20;
	v29 =	vsub.f32 v17, v40;
	v17 =	vmul.f32 v41, v23  }
0xd7: {  	v20 =	vmul.f32 v6, v46;
	v27 =	vsub.f32 v27, v34;
	v18 =	vsub.f32 v32, v18  }
0xd8: {  	v34 =	vmul.f32 v6, v47;
	v17 =	vsub.f32 v35, v17;
	v19 =	vsub.f32 v21, v19  }
0xd9: {  	s26 =	sshra.s32 s25, $0x2;
	s25 =	sadd.s32 $0x40, s25;
	v32 =	vsub.f32 v38, v20;
	v38 =	vmul.f32 v6, v48;
	v35 =	vmul.f32 v6, v51  }
0xda: {  	v20 =	vld [tilespmem:s26+$0x0]  }
0xdb: {  	v21 =	vld [tilespmem:s26+$0x2000];
	v29 =	vsub.f32 v29, v34  }
0xdc: {  	v34 =	vmul.f32 v6, v52;
	v40 =	vld [tilespmem:s26+$0x4000];
	vm0 =	vmmov $0x1;
	vm14 =	vmmov $0x3  }
0xdd: {  	vm15 =	vmmov $0x7;
	vm4 =	vmmov $0xf;
	vm5 =	vmmov $0x1f  }
0xde: {  	vm6 =	vmmov $0x3f;
	v25 =	vsub.f32 v25, v38;
	v38 =	vmul.f32 v6, v56  }
0xdf: {  	v27 =	vsub.f32 v27, v35;
	v5 =	vmin.f32 v5, v32;
	v6 =	vmul.f32 v6, v22  }
0xe0: {  	v18 =	vsub.f32 v18, v34;
	v16 =	vmin.f32 v16, v29;
	v3 =	vmul.f32 v20, v3  }
0xe1: {  	v19 =	vsub.f32 v19, v38;
	v2 =	vmul.f32 v21, v2;
	v1 =	vmul.f32 v40, v1  }
0xe2: {  	v39 =	vld [tilespmem:s26+$0x6000];
	v14 =	vmin.f32 v14, v25;
	v54 =	vmul.f32 v20, v54;
	v57 =	vmul.f32 v20, v57  }
0xe3: {  	v6 =	vsub.f32 v17, v6;
	v59 =	vmul.f32 v20, v59;
	v29 =	vmul.f32 v20, v61  }
0xe4: {  	v12 =	vmin.f32 v12, v27;
	v32 =	vmul.f32 v20, v62;
	v34 =	vmul.f32 v20, v63  }
0xe5: {  	v15 =	vmin.f32 v15, v18;
	v0 =	vmul.f32 v20, v0;
	v41 =	vmul.f32 v21, v49  }
0xe6: {  	v6 =	vmin.f32 v7, v6;
	v49 =	vmul.f32 v21, v50;
	v50 =	vmul.f32 v21, v53  }
0xe7: {  	v53 =	vmul.f32 v21, v55;
	v55 =	vmul.f32 v21, v60;
	v3 =	vsub.f32 v39, v3  }
0xe8: {  	v60 =	vmul.f32 v40, v51;
	v17 =	vsub.f32 v39, v57;
	v7 =	vsub.f32 v39, v29  }
0xe9: {  	v61 =	vmul.f32 v40, v52;
	v35 =	vsub.f32 v39, v32;
	v38 =	vsub.f32 v39, v34  }
0xea: {  	v63 =	vmul.f32 v40, v22;
	v0 =	vsub.f32 v39, v0;
	v2 =	vsub.f32 v3, v2  }
0xeb: {  	v3 =	vmin.f32 v13, v19;
	v13 =	vsub.f32 v39, v54;
	v54 =	vmul.f32 v21, v58  }
0xec: {  	v21 =	vmul.f32 v21, v23;
	v7 =	vsub.f32 v7, v53;
	v1 =	vsub.f32 v2, v1  }
0xed: {  	v57 =	vmul.f32 v40, v46;
	v2 =	vsub.f32 v39, v59;
	v13 =	vsub.f32 v13, v41  }
0xee: {  	v25 =	vld [tilespmem:$0x1FF50];
	v58 =	vmul.f32 v40, v47;
	v18 =	vsub.f32 v35, v54;
	v0 =	vsub.f32 v0, v21  }
0xef: {  	v23 =	vld [tilespmem:$0x1FF40];
	v7 =	vsub.f32 v7, v60;
	v1 =	vmin.f32 v4, v1;
	v4 =	vsub.f32 v17, v49  }
0xf0: {  	v27 =	vld [tilespmem:$0x1FF60];
	v59 =	vmul.f32 v40, v48;
	v2 =	vsub.f32 v2, v50;
	v13 =	vsub.f32 v13, v57  }
0xf1: {  	v62 =	vmul.f32 v40, v56;
	v32 =	vld [tilespmem:$0x1FF70];
	v17 =	vsub.f32 v38, v55;
	v4 =	vsub.f32 v4, v58  }
0xf2: {  	v0 =	vsub.f32 v0, v63;
	v2 =	vsub.f32 v2, v59;
	v5 =	vmin.f32 v5, v13  }
0xf3: {  	v34 =	vld [tilespmem:$0x1FF80];
	v7 =	vmin.f32 v12, v7;
	v5 =	vadd.f32 v5, v45;
	v4 =	vmin.f32 v16, v4  }
0xf4: {  	v2 =	vmin.f32 v14, v2;
	v14 =	vmin.f32 v24, v23;
	v16 =	vmin.f32 v26, v25  }
0xf5: {  	v14 =	vsel vm0, v14, v16;
	v16 =	vmin.f32 v28, v27;
	v35 =	vperm.xlane v5, v8  }
0xf6: {  	v4 =	vadd.f32 v4, v43;
	v29 =	vsel vm14, v14, v16;
	v14 =	vmin.f32 v31, v32  }
0xf7: {  	v39 =	vld [tilespmem:$0x1FFA0];
	v7 =	vadd.f32 v7, v42;
	v12 =	vsel vm15, v29, v14;
	v5 =	vmin.f32 v5, v35  }
0xf8: {  	v14 =	vmin.f32 v37, v34;
	v37 =	vld [tilespmem:$0x1FF90];
	v40 =	vperm.xlane v4, v8;
	v38 =	vperm.xlane v5, v9  }
0xf9: {  	vm7 =	vmmov $0x7f;
	vm8 =	vmmov $0xff;
	v0 =	vmin.f32 v6, v0  }
0xfa: {  	v48 =	vperm.xlane v7, v8;
	v43 =	vld [tilespmem:$0x1FFB0];
	v4 =	vmin.f32 v4, v40;
	v5 =	vmin.f32 v5, v38  }
0xfb: {  	v2 =	vadd.f32 v2, v44;
	v45 =	vperm.xlane v4, v9;
	v44 =	vperm.xlane v5, v10  }
0xfc: {  	v7 =	vmin.f32 v7, v48;
	v6 =	vsel vm4, v12, v14;
	v14 =	vmin.f32 v33, v39  }
0xfd: {  	v12 =	vmin.f32 v36, v37;
	v4 =	vmin.f32 v4, v45;
	v5 =	vmin.f32 v5, v44  }
0xfe: {  	v6 =	vsel vm5, v6, v12;
	v49 =	vperm.xlane v4, v10;
	v47 =	vperm.xlane v5, v11  }
0xff: {  	v51 =	vperm.xlane v7, v9;
	v6 =	vsel vm6, v6, v14;
	v14 =	vmin.f32 v30, v43  }
0x100: {  	v6 =	vsel vm7, v6, v14;
	v4 =	vmin.f32 v4, v49;
	v5 =	vmin.f32 v5, v47  }
0x101: {  	v5 =	vsel vm8, v6, v5;
	v6 =	vperm.xlane v4, v11  }
0x102: {  	v52 =	vld [tilespmem:$0x1FFC0];
	v7 =	vmin.f32 v7, v51  }
0x103: {  	v55 =	vld [tilespmem:$0x1FFE0];
	v41 =	vperm.xlane v2, v8;
	v4 =	vmin.f32 v4, v6;
	v6 =	vperm.xlane v7, v10  }
0x104: {  	v57 =	vld [tilespmem:$0x1FFF0]  }
0x105: {  	vm9 =	vmmov $0x1ff;
	v2 =	vmin.f32 v2, v41;
	v6 =	vmin.f32 v7, v6;
	v7 =	vld [tilespmem:$0x1FFD0]  }
0x106: {  	v22 =	vsub.f32 v18, v61;
	v17 =	vsub.f32 v17, v62;
	v46 =	vperm.xlane v2, v9  }
0x107: {  	vm10 =	vmmov $0x3ff;
	vm11 =	vmmov $0x7ff;
	vm12 =	vmmov $0xfff  }
0x108: {  	v13 =	vmin.f32 v15, v22;
	v3 =	vmin.f32 v3, v17;
	v2 =	vmin.f32 v2, v46  }
0x109: {  	v0 =	vadd.f32 v0, v55;
	v50 =	vperm.xlane v2, v10;
	v12 =	vadd.f32 v13, v52  }
0x10a: {  	vm13 =	vmmov $0x1fff;
	v1 =	vadd.f32 v1, v57;
	v3 =	vadd.f32 v3, v7  }
0x10b: {  	v2 =	vmin.f32 v2, v50;
	v54 =	vperm.xlane v12, v8;
	v7 =	vperm.xlane v6, v11  }
0x10c: {  	v53 =	vperm.xlane v2, v11;
	v4 =	vsel vm9, v5, v4;
	v58 =	vperm.xlane v3, v8  }
0x10d: {  	v5 =	vmin.f32 v12, v54;
	v59 =	vmin.f32 v6, v7;
	v6 =	vperm.xlane v0, v8  }
0x10e: {  	v56 =	vperm.xlane v5, v9;
	v7 =	vperm.xlane v1, v8;
	v3 =	vmin.f32 v3, v58  }
0x10f: {  	v2 =	vmin.f32 v2, v53;
	v0 =	vmin.f32 v0, v6;
	v6 =	vperm.xlane v3, v9  }
0x110: {  	v5 =	vmin.f32 v5, v56;
	v1 =	vmin.f32 v1, v7;
	v7 =	vperm.xlane v0, v9  }
0x111: {  	v12 =	vperm.xlane v5, v10;
	v3 =	vmin.f32 v3, v6;
	v6 =	vperm.xlane v1, v9  }
0x112: {  	v2 =	vsel vm10, v4, v2;
	v0 =	vmin.f32 v0, v7;
	v7 =	vperm.xlane v3, v10  }
0x113: {  	v5 =	vmin.f32 v5, v12;
	v60 =	vperm.xlane v0, v10;
	v1 =	vmin.f32 v1, v6  }
0x114: {  	v12 =	vperm.xlane v5, v11;
	v3 =	vmin.f32 v3, v7;
	v6 =	vperm.xlane v1, v10  }
0x115: {  	s23 =	sadd.s32 $0x1, s23;
	v2 =	vsel vm11, v2, v59;
	v0 =	vmin.f32 v0, v60;
	v61 =	vperm.xlane v3, v11  }
0x116: {  	p0 =	sne.s32 s23, $0x6;
	v5 =	vmin.f32 v5, v12;
	v62 =	vperm.xlane v0, v11;
	v1 =	vmin.f32 v1, v6  }
.Ltmp2:
0x117: {  	v2 =	vsel vm12, v2, v5;
	v3 =	vmin.f32 v3, v61;
	v63 =	vperm.xlane v1, v11;
	(pc) =	sbr.rel @p0 .LBB2_2-.Ltmp2, $4  }
0x118: {  	vm14 =	vmmov $0x3fff;
	v0 =	vmin.f32 v0, v62;
	v2 =	vsel vm13, v2, v3  }
0x119: {  	vm15 =	vmmov $0x7fff;
	v0 =	vsel vm14, v2, v0;
	v1 =	vmin.f32 v1, v63  }
0x11a: {  	v0 =	vsel vm15, v0, v1  }
0x11b: {  	[tilespmem:s24+$0x8200] =	vst v0  }
0x11c: {  	s22 =	sadd.s32 $0x1, s22  }
0x11d: {  	p0 =	sne.s32 s22, s12  }
.Ltmp3:
0x11e: {  	_ = 	snop;
	(pc) =	sbr.rel @p0 .LBB2_1-.Ltmp3, $4  }
0x11f: {  	[hbm4b:s11+s2] =	stream.linear.scatter [tilespmem:s21], [sflag:$0x1], $0x60, $0x38;
	[tilespmem:$0x8280] =	vst v63  }
0x120: {  	_ =	swait.ge [sflag:s13], $0x60  }
0x121: {  	[sflag:s13] =	ssyncset.done $0x0  }
0x122: {  	[sflag:s13] =	ssyncadd.s32 $0xFFFFFFA0  }
0x123: {  	_ =	sfence.sel $0x180000  }
0x124: {  	[bflag:$0x0] =	sbarrier.arrive $0xFFFF  }
0x125: {  	p0 =	sne.s32 s0, $0x0;
	_ =	strace $0x90000047  }
0x126: {  	s0 =	sadd.s32 @!p0 $0x100000, s1;
	[bflag:$0x2] =	sbarrier.arrive $0xFFFF  }
0x127: {  	[sflag:s0] =	ssyncadd.tile.s32 @!p0 $0x1;
	_ =	shalt  }
.Lfunc_end2:
_tile_overlayer_lowered:
.L_overlay_start_2:
0x128: {  	(tag) =	ssettag $0x2  }
0x129: {  	s0 =	rddreg [dreg:$0x0];
	s2 =	stileid.u32  }
0x12a: {  	s1 =	rddreg [dreg:$0x1];
	p0 =	sne.s32 s2, $0x0  }
0x12b: {  	s3 =	rddreg [dreg:$0x2];
	[bflag:$0x3] =	sbarrier.arrive $0xFFFF;
	s2 =	simm.s32 @!p0 $0x1C01  }
0x12c: {  	[timem:s3], [sflag:s2] =	dma.local @!p0 [hbm:s0], s1  }
0x12d: {  	s0 =	simm.s32 @!p0 $0x1  }
0x12e: {  	_ =	swait.ge @!p0 [sflag:s0], s1  }
0x12f: {  	s1 =	ssub.s32 @!p0 $0x0, s1;
	[sflag:s0] =	ssyncset.done @!p0 $0x0  }
0x130: {  	[sflag:s0] =	ssyncadd.s32 @!p0 s1  }
0x131: {  	[bflag:$0x3] =	sbarrier.arrive $0xFFFF  }
0x132: {  	_ =	shalt  }

</sc_bundles>
